<compile_context>
chip_gen: v7x
topology: tpu7x:2x2x1
jax: 0.10.2.dev20260603
libtpu: 0.0.44.dev20260713+nightly
codegen_flags: <defaults>
</compile_context>

<pallas_src>
import functools

import jax
import jax.numpy as jnp
import numpy as np
from jax import lax
from jax.experimental import pallas as pl
from jax.experimental.pallas import tpu as pltpu
from jax.experimental.pallas import tpu_sc as plsc

N_ATOMS = 10000
N_EDGES = 160000
N_SPECIES = 100
F = 64
N_RBF = 32
N_SH = 9
D_OUT = N_SH * F
CUTOFF = 5.0

BE = 1000
GRID = N_EDGES // BE

NCORES = 2
NSUB = 16
NCH = 5
CCH = 128
N_PAD = 10240
ROWS_PT = N_PAD // NSUB
EPT = N_EDGES // NSUB
BATCH = 128
NSTEP = EPT // BATCH
TAIL = EPT - NSTEP * BATCH


def _sh_channels(x, y, z):
    return [
        jnp.full_like(x, 0.28209479),
        0.48860251 * y,
        0.48860251 * z,
        0.48860251 * x,
        1.09254843 * x * y,
        1.09254843 * y * z,
        0.31539157 * (3.0 * z * z - 1.0),
        1.09254843 * x * z,
        0.54627422 * (x * x - y * y),
    ]


def _edge_kernel(disp_ref, zi_ref, zj_ref, zatoms_ref,
                 mix_ref, table2_ref, w0a_ref, w0b_ref, w1a_ref, w1b_ref,
                 y_ref, res_ref):
    g = pl.program_id(0)

    disp = disp_ref[...]
    dx = disp[:, 0:1]
    dy = disp[:, 1:2]
    dz = disp[:, 2:3]
    r2 = dx * dx + dy * dy + dz * dz
    r = jnp.sqrt(r2)
    inv = 1.0 / (r + 1e-9)
    ux, uy, uz = dx * inv, dy * inv, dz * inv

    env = 0.5 * (jnp.cos(jnp.pi * jnp.clip(r / CUTOFF, 0.0, 1.0)) + 1.0)

    zj = zj_ref[...]
    sp_iota = jax.lax.broadcasted_iota(jnp.int32, (1, N_SPECIES), 1)
    onehot_j = (zj == sp_iota).astype(jnp.float32)
    radial_all = jnp.dot(onehot_j, mix_ref[...],
                         preferred_element_type=jnp.float32)
    lane_b = jax.lax.broadcasted_iota(jnp.int32, (1, N_RBF * F), 1) // F
    centers_exp = lane_b.astype(jnp.float32) * (CUTOFF / (N_RBF - 1))
    d = r - centers_exp
    prod = jnp.exp(-4.0 * d * d) * env * radial_all
    w = N_RBF * F
    while w > F:
        w //= 2
        prod = prod[:, :w] + prod[:, w:2 * w]
    radial = prod

    zi = zi_ref[...]
    onehot_i = (zi == sp_iota).astype(jnp.float32)
    emb_i = jnp.dot(onehot_i, table2_ref[...],
                    preferred_element_type=jnp.float32)

    sh = _sh_channels(ux, uy, uz)
    Y = jnp.concatenate([sh[c] * radial for c in range(9)], axis=0)

    for wa_ref, wb_ref in ((w0a_ref, w0b_ref), (w1a_ref, w1b_ref)):
        h = jnp.dot(Y, wa_ref[...], preferred_element_type=jnp.float32)
        g0 = h[0:BE]
        gate = g0 * jax.nn.sigmoid(g0)
        gate9 = jnp.concatenate([gate] * 9, axis=0)
        Y = jnp.dot(h * gate9, wb_ref[...],
                    preferred_element_type=jnp.float32)

    for ch in range(4):
        for j in range(2):
            cc = 2 * ch + j
            y_ref[ch, :, j * F:(j + 1) * F] = (
                Y[cc * BE:(cc + 1) * BE] * emb_i)
    y_ref[4, :, 0:F] = Y[8 * BE:9 * BE] * emb_i
    y_ref[4, :, F:CCH] = jnp.zeros((BE, CCH - F), jnp.float32)

    @pl.when(g == GRID - 1)
    def _residual():
        za = zatoms_ref[...]
        onehot_a = (za == sp_iota).astype(jnp.float32)
        res = jnp.dot(onehot_a, table2_ref[...],
                      preferred_element_type=jnp.float32)
        res_ref[...] = jnp.concatenate(
            [res, jnp.zeros((N_PAD, CCH - F), jnp.float32)], axis=1)


def _sc_scatter(y_hbm, idx_hbm, res_hbm, zero_hbm, out_hbm,
                idx_v, y_v, idx_t, y_t, acc):
    c = lax.axis_index("c")
    s = lax.axis_index("s")
    stripe = pl.ds(s * ROWS_PT, ROWS_PT)

    for k in range(3):
        chunk = c + NCORES * k

        @pl.when(chunk < NCH)
        def _pass():
            @pl.when(chunk == 0)
            def _init_res():
                pltpu.sync_copy(res_hbm.at[stripe], acc.at[stripe])

            @pl.when(chunk != 0)
            def _init_zero():
                pltpu.sync_copy(zero_hbm, acc.at[stripe])

            plsc.subcore_barrier()

            def step(i, _):
                base = s * EPT + i * BATCH
                pltpu.sync_copy(idx_hbm.at[pl.ds(base, BATCH)], idx_v)
                pltpu.sync_copy(y_hbm.at[chunk, pl.ds(base, BATCH)], y_v)
                pltpu.sync_copy(y_v, acc.at[idx_v], add=True)
                return 0
            lax.fori_loop(0, NSTEP, step, 0)

            tbase = s * EPT + NSTEP * BATCH
            pltpu.sync_copy(idx_hbm.at[pl.ds(tbase, TAIL)], idx_t)
            pltpu.sync_copy(y_hbm.at[chunk, pl.ds(tbase, TAIL)], y_t)
            pltpu.sync_copy(y_t, acc.at[idx_t], add=True)

            plsc.subcore_barrier()

            pltpu.sync_copy(acc.at[stripe], out_hbm.at[chunk, stripe])


def kernel(atomic_numbers, neighbour_indices, neighbour_displacements,
           embed_table, W_emb, b_emb, rad_mix, Wtd0a, Wtd0b, Wtd1a, Wtd1b):
    idx_i = neighbour_indices[:, 0].astype(jnp.int32)
    idx_j = neighbour_indices[:, 1]
    zi = jnp.take(atomic_numbers, idx_i, axis=0).astype(jnp.int32)
    zj = jnp.take(atomic_numbers, idx_j, axis=0).astype(jnp.int32)
    table2 = embed_table @ W_emb + b_emb
    zatoms = jnp.concatenate(
        [atomic_numbers.astype(jnp.int32),
         jnp.full((N_PAD - N_ATOMS,), -1, jnp.int32)])

    y, res = pl.pallas_call(
        _edge_kernel,
        grid=(GRID,),
        in_specs=[
            pl.BlockSpec((BE, 3), lambda i: (i, 0)),
            pl.BlockSpec((BE, 1), lambda i: (i, 0)),
            pl.BlockSpec((BE, 1), lambda i: (i, 0)),
            pl.BlockSpec((N_PAD, 1), lambda i: (0, 0)),
            pl.BlockSpec((N_SPECIES, N_RBF * F), lambda i: (0, 0)),
            pl.BlockSpec((N_SPECIES, F), lambda i: (0, 0)),
            pl.BlockSpec((F, F), lambda i: (0, 0)),
            pl.BlockSpec((F, F), lambda i: (0, 0)),
            pl.BlockSpec((F, F), lambda i: (0, 0)),
            pl.BlockSpec((F, F), lambda i: (0, 0)),
        ],
        out_specs=[
            pl.BlockSpec((NCH, BE, CCH), lambda i: (0, i, 0)),
            pl.BlockSpec((N_PAD, CCH), lambda i: (0, 0)),
        ],
        out_shape=[
            jax.ShapeDtypeStruct((NCH, N_EDGES, CCH), jnp.float32),
            jax.ShapeDtypeStruct((N_PAD, CCH), jnp.float32),
        ],
    )(neighbour_displacements,
      zi.reshape(N_EDGES, 1),
      zj.reshape(N_EDGES, 1),
      zatoms.reshape(N_PAD, 1),
      rad_mix.reshape(N_SPECIES, N_RBF * F),
      table2, Wtd0a, Wtd0b, Wtd1a, Wtd1b)

    zero = jnp.zeros((ROWS_PT, CCH), jnp.float32)
    mesh = plsc.VectorSubcoreMesh(core_axis_name="c", subcore_axis_name="s")
    out = pl.kernel(
        _sc_scatter,
        mesh=mesh,
        compiler_params=pltpu.CompilerParams(use_tc_tiling_on_sc=False),
        out_type=jax.ShapeDtypeStruct((NCH, N_PAD, CCH), jnp.float32),
        scratch_types=[
            pltpu.VMEM((BATCH,), jnp.int32),
            pltpu.VMEM((BATCH, CCH), jnp.float32),
            pltpu.VMEM((TAIL,), jnp.int32),
            pltpu.VMEM((TAIL, CCH), jnp.float32),
            pltpu.VMEM_SHARED((N_PAD, CCH), jnp.float32),
        ],
    )(y, idx_i, res, zero)

    flat = out.transpose(1, 0, 2).reshape(N_PAD, NCH * CCH)
    return flat[:N_ATOMS, :D_OUT].reshape(N_ATOMS, N_SH, F)

# --- scband reference (transcript-rebuilt; emitter-appended) ---
"""Pipeline reference for scband-atom-centered-tensor-moment-descriptor-48833778155683 (READ-ONLY COPY).

The authoritative reference and input builder live on the scoring server;
editing this copy changes nothing except your own understanding.
"""

import jax, jax.numpy as jnp
import numpy as np

NUM_ATOMS = 10000
NUM_EDGES = 160000
NUM_SPECIES = 100
EMBED_DIM = 128
F = 64            # num_moment_features
NUM_RBF = 32
NUM_SH = 9        # (moment_max_degree+1)^2 with moment_max_degree=2
MAX_MOMENT = 2
CUTOFF = 5.0


def setup_inputs(seed: int = 0):
    key = jax.random.key(seed)
    ks = jax.random.split(key, 12)
    atomic_numbers = jax.random.randint(ks[0], (NUM_ATOMS,), 0, NUM_SPECIES)
    neighbour_indices = jax.random.randint(ks[1], (NUM_EDGES, 2), 0, NUM_ATOMS)
    neighbour_displacements = jax.random.normal(ks[2], (NUM_EDGES, 3), dtype=jnp.float32)
    # learned parameters
    embed_table = jax.random.normal(ks[3], (NUM_SPECIES, EMBED_DIM), dtype=jnp.float32) * 0.1
    W_emb = jax.random.normal(ks[4], (EMBED_DIM, F), dtype=jnp.float32) / np.sqrt(EMBED_DIM)
    b_emb = jnp.zeros((F,), dtype=jnp.float32)
    rad_mix = jax.random.normal(ks[5], (NUM_SPECIES, NUM_RBF, F), dtype=jnp.float32) / np.sqrt(NUM_RBF)
    Wtd0a = jax.random.normal(ks[6], (F, F), dtype=jnp.float32) / np.sqrt(F)
    Wtd0b = jax.random.normal(ks[7], (F, F), dtype=jnp.float32) / np.sqrt(F)
    Wtd1a = jax.random.normal(ks[8], (F, F), dtype=jnp.float32) / np.sqrt(F)
    Wtd1b = jax.random.normal(ks[9], (F, F), dtype=jnp.float32) / np.sqrt(F)
    return {
        'atomic_numbers': atomic_numbers,
        'neighbour_indices': neighbour_indices,
        'neighbour_displacements': neighbour_displacements,
        'embed_table': embed_table,
        'W_emb': W_emb,
        'b_emb': b_emb,
        'rad_mix': rad_mix,
        'Wtd0a': Wtd0a,
        'Wtd0b': Wtd0b,
        'Wtd1a': Wtd1a,
        'Wtd1b': Wtd1b,
    }


def _real_sh_deg2(u):
    # real spherical harmonics up to degree 2 on unit vectors u: [E,3] -> [E,9]
    x = u[:, 0]; y = u[:, 1]; z = u[:, 2]
    return jnp.stack([
        jnp.full_like(x, 0.28209479),
        0.48860251 * y,
        0.48860251 * z,
        0.48860251 * x,
        1.09254843 * x * y,
        1.09254843 * y * z,
        0.31539157 * (3.0 * z * z - 1.0),
        1.09254843 * x * z,
        0.54627422 * (x * x - y * y),
    ], axis=-1)


def reference(atomic_numbers, neighbour_indices, neighbour_displacements,
              embed_table, W_emb, b_emb, rad_mix, Wtd0a, Wtd0b, Wtd1a, Wtd1b):
    idx_i = neighbour_indices[:, 0]
    idx_j = neighbour_indices[:, 1]
    Z_i = jnp.take(atomic_numbers, idx_i, axis=0)
    Z_j = jnp.take(atomic_numbers, idx_j, axis=0)

    # species-aware radial basis expanded onto spherical harmonics
    r = jnp.linalg.norm(neighbour_displacements, axis=-1, keepdims=True)  # [E,1]
    u = neighbour_displacements / (r + 1e-9)
    centers = jnp.linspace(0.0, CUTOFF, NUM_RBF)
    rbf = jnp.exp(-4.0 * (r - centers) ** 2)  # [E,NUM_RBF]
    env = 0.5 * (jnp.cos(jnp.pi * jnp.clip(r / CUTOFF, 0.0, 1.0)) + 1.0)  # [E,1]
    rbf = rbf * env
    mix = jnp.take(rad_mix, Z_j, axis=0)  # [E,NUM_RBF,F] species-aware gather
    radial = jnp.einsum('eb,ebf->ef', rbf, mix)  # [E,F]
    sh = _real_sh_deg2(u)  # [E,9]
    y = sh[:, :, None] * radial[:, None, :]  # [E,9,F]

    # max_moment applications of TensorDense (feature mixing + scalar-gated self coupling)
    for Wa, Wb in ((Wtd0a, Wtd0b), (Wtd1a, Wtd1b)):
        h = jnp.einsum('ecf,fg->ecg', y, Wa)
        gate = jax.nn.silu(h[:, :1, :])  # degree-0 scalar gate, broadcast over sph dim
        y = jnp.einsum('ecf,fg->ecg', h * gate, Wb)

    # Tensor('ac emb x basis'): scalar embedding (deg 0) x tensor features
    emb_i = jnp.take(embed_table, Z_i, axis=0) @ W_emb + b_emb  # [E,F]
    y = y * emb_i[:, None, :]

    # indexed_sum -> per-atom aggregation
    out = jax.ops.segment_sum(y, idx_i, num_segments=atomic_numbers.shape[0])  # [N,9,F]

    # embedding residual connection (adds to scalar / degree-0 channel)
    res = jnp.take(embed_table, atomic_numbers, axis=0) @ W_emb + b_emb  # [N,F]
    out = out.at[:, 0, :].add(res)
    return out


if False:  # reference __main__ guard neutralized (emitter)
    inp = setup_inputs()
    o = reference(**inp)
    print(o.shape, o.dtype)

if __name__ == "__main__":
    import jax
    _d = setup_inputs()
    print(jax.jit(kernel)(*tuple(_d.values())))

</pallas_src>

<mosaic_0001>
#map = affine_map<(d0, d1) -> (0, 0, 0)>
#map1 = affine_map<(d0, d1) -> (0)>
#map2 = affine_map<(d0, d1) -> (0, 0)>
module attributes {stable_mosaic.version = 14 : i64} {
  func.func @_sc_scatter(%arg0: i32, %arg1: i32, %arg2: memref<5x160000x128xf32, #tpu.memory_space<hbm>>, %arg3: memref<160000xi32, #tpu.memory_space<hbm>>, %arg4: memref<10240x128xf32, #tpu.memory_space<hbm>>, %arg5: memref<640x128xf32, #tpu.memory_space<hbm>>, %arg6: memref<5x10240x128xf32, #tpu.memory_space<hbm>>, %arg7: memref<128xi32, #tpu.memory_space<vmem>>, %arg8: memref<128x128xf32, #tpu.memory_space<vmem>>, %arg9: memref<16xi32, #tpu.memory_space<vmem>>, %arg10: memref<16x128xf32, #tpu.memory_space<vmem>>, %arg11: memref<10240x128xf32, #tpu.memory_space<vmem_shared>>) attributes {dimension_semantics = [#tpu.dimension_semantics<core_parallel>, #tpu.dimension_semantics<subcore_parallel>], iteration_bounds = array<i64: 2, 16>, scalar_prefetch = 0 : i64, scratch_operands = 5 : i64, tpu.core_type = #tpu.core_type<sc_vector_subcore>, window_params = [{transform_indices = #map}, {transform_indices = #map1}, {transform_indices = #map2}, {transform_indices = #map2}, {transform_indices = #map}]} {
    %mul3A = arith.constant 640 : i32
    %mul3A_0 = arith.muli %arg1, %mul3A : i32
    %add3A = arith.constant 0 : i32
    %add3A_1 = arith.addi %arg0, %add3A : i32
    %lt3A = arith.constant 5 : i32
    %lt3A_2 = arith.cmpi slt, %add3A_1, %lt3A : i32
    %convert_element_type3A = arith.extui %lt3A_2 : i1 to i32
    %cond3A = arith.constant 0 : i32
    %cond3A_3 = arith.cmpi ne, %convert_element_type3A, %cond3A : i32
    scf.if %cond3A_3 {
      %eq3A = arith.constant 0 : i32
      %eq3A_18 = arith.cmpi eq, %add3A_1, %eq3A : i32
      %convert_element_type3A_19 = arith.extui %eq3A_18 : i1 to i32
      %cond3A_20 = arith.constant 0 : i32
      %cond3A_21 = arith.cmpi ne, %convert_element_type3A_19, %cond3A_20 : i32
      scf.if %cond3A_21 {
        "tpu.region"() ({
          %run_scoped3A = tpu.sem_alloc : memref<!tpu.dma_semaphore, #tpu.memory_space<semaphore_mem>>
          %dma_start3A = arith.constant 0 : i32
          %dma_start3A_37 = tpu.memref_slice %arg11[%mul3A_0, %dma_start3A] : memref<10240x128xf32, #tpu.memory_space<vmem_shared>> -> memref<640x128xf32, #tpu.memory_space<vmem_shared>>
          %dma_start3A_38 = arith.constant 0 : i32
          %dma_start3A_39 = tpu.memref_slice %arg4[%mul3A_0, %dma_start3A_38] : memref<10240x128xf32, #tpu.memory_space<hbm>> -> memref<640x128xf32, #tpu.memory_space<hbm>>
          tpu.enqueue_dma source(%dma_start3A_39 : memref<640x128xf32, #tpu.memory_space<hbm>>) target(%dma_start3A_37 : memref<640x128xf32, #tpu.memory_space<vmem_shared>>) target_semaphore(%run_scoped3A : memref<!tpu.dma_semaphore, #tpu.memory_space<semaphore_mem>>)
          %dma_wait3A = arith.constant 0 : i32
          %dma_wait3A_40 = tpu.memref_slice %arg11[%mul3A_0, %dma_wait3A] : memref<10240x128xf32, #tpu.memory_space<vmem_shared>> -> memref<640x128xf32, #tpu.memory_space<vmem_shared>>
          %dma_wait3A_41 = arith.constant 0 : i32
          %dma_wait3A_42 = tpu.memref_slice %arg4[%mul3A_0, %dma_wait3A_41] : memref<10240x128xf32, #tpu.memory_space<hbm>> -> memref<640x128xf32, #tpu.memory_space<hbm>>
          tpu.wait_dma2 semaphore(%run_scoped3A : memref<!tpu.dma_semaphore, #tpu.memory_space<semaphore_mem>>) src(%dma_wait3A_42 : memref<640x128xf32, #tpu.memory_space<hbm>>) dst(%dma_wait3A_40 : memref<640x128xf32, #tpu.memory_space<vmem_shared>>)
          tpu.yield
        }) : () -> ()
      } else {
      }
      %ne3A = arith.constant 0 : i32
      %ne3A_22 = arith.cmpi ne, %add3A_1, %ne3A : i32
      %convert_element_type3A_23 = arith.extui %ne3A_22 : i1 to i32
      %cond3A_24 = arith.constant 0 : i32
      %cond3A_25 = arith.cmpi ne, %convert_element_type3A_23, %cond3A_24 : i32
      scf.if %cond3A_25 {
        "tpu.region"() ({
          %run_scoped3A = tpu.sem_alloc : memref<!tpu.dma_semaphore, #tpu.memory_space<semaphore_mem>>
          %dma_start3A = arith.constant 0 : i32
          %dma_start3A_37 = tpu.memref_slice %arg11[%mul3A_0, %dma_start3A] : memref<10240x128xf32, #tpu.memory_space<vmem_shared>> -> memref<640x128xf32, #tpu.memory_space<vmem_shared>>
          tpu.enqueue_dma source(%arg5 : memref<640x128xf32, #tpu.memory_space<hbm>>) target(%dma_start3A_37 : memref<640x128xf32, #tpu.memory_space<vmem_shared>>) target_semaphore(%run_scoped3A : memref<!tpu.dma_semaphore, #tpu.memory_space<semaphore_mem>>)
          %dma_wait3A = arith.constant 0 : i32
          %dma_wait3A_38 = tpu.memref_slice %arg11[%mul3A_0, %dma_wait3A] : memref<10240x128xf32, #tpu.memory_space<vmem_shared>> -> memref<640x128xf32, #tpu.memory_space<vmem_shared>>
          tpu.wait_dma2 semaphore(%run_scoped3A : memref<!tpu.dma_semaphore, #tpu.memory_space<semaphore_mem>>) src(%arg5 : memref<640x128xf32, #tpu.memory_space<hbm>>) dst(%dma_wait3A_38 : memref<640x128xf32, #tpu.memory_space<vmem_shared>>)
          tpu.yield
        }) : () -> ()
      } else {
      }
      %barrier3A = arith.constant 0 : index
      tpu.barrier barrier_id(%barrier3A)
      %scan3A = arith.constant 0 : i32
      %scan3A_26 = arith.constant 0 : i32
      %scan3A_27 = arith.constant 78 : i32
      %scan3A_28 = arith.addi %scan3A_26, %scan3A_27 : i32
      %scan3A_29 = arith.constant 1 : i32
      %scan3A_30 = scf.for %scan3A_37 = %scan3A_26 to %scan3A_28 step %scan3A_29 iter_args(%scan3A_38 = %scan3A) -> (i32)  : i32 {
        %mul3A_39 = arith.constant 10000 : i32
        %mul3A_40 = arith.muli %arg1, %mul3A_39 : i32
        %mul3A_41 = arith.constant 128 : i32
        %mul3A_42 = arith.muli %scan3A_37, %mul3A_41 : i32
        %add3A_43 = arith.addi %mul3A_40, %mul3A_42 : i32
        "tpu.region"() ({
          %run_scoped3A = tpu.sem_alloc : memref<!tpu.dma_semaphore, #tpu.memory_space<semaphore_mem>>
          %dma_start3A = tpu.memref_slice %arg3[%add3A_43] : memref<160000xi32, #tpu.memory_space<hbm>> -> memref<128xi32, #tpu.memory_space<hbm>>
          %dma_start3A_45 = tpu.memref_slice %arg3[%add3A_43] : memref<160000xi32, #tpu.memory_space<hbm>> -> memref<128xi32, #tpu.memory_space<hbm>>
          tpu.enqueue_dma source(%dma_start3A_45 : memref<128xi32, #tpu.memory_space<hbm>>) target(%arg7 : memref<128xi32, #tpu.memory_space<vmem>>) target_semaphore(%run_scoped3A : memref<!tpu.dma_semaphore, #tpu.memory_space<semaphore_mem>>)
          %dma_wait3A = tpu.memref_slice %arg3[%add3A_43] : memref<160000xi32, #tpu.memory_space<hbm>> -> memref<128xi32, #tpu.memory_space<hbm>>
          %dma_wait3A_46 = tpu.memref_slice %arg3[%add3A_43] : memref<160000xi32, #tpu.memory_space<hbm>> -> memref<128xi32, #tpu.memory_space<hbm>>
          tpu.wait_dma2 semaphore(%run_scoped3A : memref<!tpu.dma_semaphore, #tpu.memory_space<semaphore_mem>>) src(%dma_wait3A_46 : memref<128xi32, #tpu.memory_space<hbm>>) dst(%arg7 : memref<128xi32, #tpu.memory_space<vmem>>)
          tpu.yield
        }) : () -> ()
        "tpu.region"() ({
          %run_scoped3A = tpu.sem_alloc : memref<!tpu.dma_semaphore, #tpu.memory_space<semaphore_mem>>
          %dma_start3A = arith.constant 0 : i32
          %dma_start3A_45 = tpu.memref_slice %arg2[%add3A_1, %add3A_43, %dma_start3A] : memref<5x160000x128xf32, #tpu.memory_space<hbm>> -> memref<1x128x128xf32, #tpu.memory_space<hbm>>
          %dma_start3A_46 = tpu.memref_squeeze %dma_start3A_45 : memref<1x128x128xf32, #tpu.memory_space<hbm>> -> memref<128x128xf32, #tpu.memory_space<hbm>>
          %dma_start3A_47 = arith.constant 0 : i32
          %dma_start3A_48 = tpu.memref_slice %arg2[%add3A_1, %add3A_43, %dma_start3A_47] : memref<5x160000x128xf32, #tpu.memory_space<hbm>> -> memref<1x128x128xf32, #tpu.memory_space<hbm>>
          %dma_start3A_49 = tpu.memref_squeeze %dma_start3A_48 : memref<1x128x128xf32, #tpu.memory_space<hbm>> -> memref<128x128xf32, #tpu.memory_space<hbm>>
          tpu.enqueue_dma source(%dma_start3A_49 : memref<128x128xf32, #tpu.memory_space<hbm>>) target(%arg8 : memref<128x128xf32, #tpu.memory_space<vmem>>) target_semaphore(%run_scoped3A : memref<!tpu.dma_semaphore, #tpu.memory_space<semaphore_mem>>)
          %dma_wait3A = arith.constant 0 : i32
          %dma_wait3A_50 = tpu.memref_slice %arg2[%add3A_1, %add3A_43, %dma_wait3A] : memref<5x160000x128xf32, #tpu.memory_space<hbm>> -> memref<1x128x128xf32, #tpu.memory_space<hbm>>
          %dma_wait3A_51 = tpu.memref_squeeze %dma_wait3A_50 : memref<1x128x128xf32, #tpu.memory_space<hbm>> -> memref<128x128xf32, #tpu.memory_space<hbm>>
          %dma_wait3A_52 = arith.constant 0 : i32
          %dma_wait3A_53 = tpu.memref_slice %arg2[%add3A_1, %add3A_43, %dma_wait3A_52] : memref<5x160000x128xf32, #tpu.memory_space<hbm>> -> memref<1x128x128xf32, #tpu.memory_space<hbm>>
          %dma_wait3A_54 = tpu.memref_squeeze %dma_wait3A_53 : memref<1x128x128xf32, #tpu.memory_space<hbm>> -> memref<128x128xf32, #tpu.memory_space<hbm>>
          tpu.wait_dma2 semaphore(%run_scoped3A : memref<!tpu.dma_semaphore, #tpu.memory_space<semaphore_mem>>) src(%dma_wait3A_54 : memref<128x128xf32, #tpu.memory_space<hbm>>) dst(%arg8 : memref<128x128xf32, #tpu.memory_space<vmem>>)
          tpu.yield
        }) : () -> ()
        "tpu.region"() ({
          %run_scoped3A = tpu.sem_alloc : memref<!tpu.dma_semaphore, #tpu.memory_space<semaphore_mem>>
          %dma_start3A = arith.constant 0 : i32
          %dma_start3A_45 = arith.constant 0 : i32
          %dma_start3A_46 = tpu.memref_slice %arg11[%dma_start3A, %dma_start3A_45] : memref<10240x128xf32, #tpu.memory_space<vmem_shared>> -> memref<10240x128xf32, #tpu.memory_space<vmem_shared>>
          tpu.enqueue_indirect_dma source(%arg8 : memref<128x128xf32, #tpu.memory_space<vmem>>) target(%dma_start3A_46 : memref<10240x128xf32, #tpu.memory_space<vmem_shared>>) offsets(%arg7 : memref<128xi32, #tpu.memory_space<vmem>>) semaphore(%run_scoped3A : memref<!tpu.dma_semaphore, #tpu.memory_space<semaphore_mem>>) {add = true}
          %dma_wait3A = arith.constant 0 : i32
          %dma_wait3A_47 = arith.constant 0 : i32
          %dma_wait3A_48 = tpu.memref_slice %arg11[%dma_wait3A, %dma_wait3A_47] : memref<10240x128xf32, #tpu.memory_space<vmem_shared>> -> memref<10240x128xf32, #tpu.memory_space<vmem_shared>>
          tpu.wait_indirect_dma semaphore(%run_scoped3A : memref<!tpu.dma_semaphore, #tpu.memory_space<semaphore_mem>>) src(%arg8 : memref<128x128xf32, #tpu.memory_space<vmem>>) dst(%dma_wait3A_48 : memref<10240x128xf32, #tpu.memory_space<vmem_shared>>)
          tpu.yield
        }) : () -> ()
        %scan3A_44 = arith.constant 0 : i32
        scf.yield %scan3A_44 : i32
      }
      %scan3A_31 = arith.constant 78 : i32
      %mul3A_32 = arith.constant 10000 : i32
      %mul3A_33 = arith.muli %arg1, %mul3A_32 : i32
      %add3A_34 = arith.constant 9984 : i32
      %add3A_35 = arith.addi %mul3A_33, %add3A_34 : i32
      "tpu.region"() ({
        %run_scoped3A = tpu.sem_alloc : memref<!tpu.dma_semaphore, #tpu.memory_space<semaphore_mem>>
        %dma_start3A = tpu.memref_slice %arg3[%add3A_35] : memref<160000xi32, #tpu.memory_space<hbm>> -> memref<16xi32, #tpu.memory_space<hbm>>
        %dma_start3A_37 = tpu.memref_slice %arg3[%add3A_35] : memref<160000xi32, #tpu.memory_space<hbm>> -> memref<16xi32, #tpu.memory_space<hbm>>
        tpu.enqueue_dma source(%dma_start3A_37 : memref<16xi32, #tpu.memory_space<hbm>>) target(%arg9 : memref<16xi32, #tpu.memory_space<vmem>>) target_semaphore(%run_scoped3A : memref<!tpu.dma_semaphore, #tpu.memory_space<semaphore_mem>>)
        %dma_wait3A = tpu.memref_slice %arg3[%add3A_35] : memref<160000xi32, #tpu.memory_space<hbm>> -> memref<16xi32, #tpu.memory_space<hbm>>
        %dma_wait3A_38 = tpu.memref_slice %arg3[%add3A_35] : memref<160000xi32, #tpu.memory_space<hbm>> -> memref<16xi32, #tpu.memory_space<hbm>>
        tpu.wait_dma2 semaphore(%run_scoped3A : memref<!tpu.dma_semaphore, #tpu.memory_space<semaphore_mem>>) src(%dma_wait3A_38 : memref<16xi32, #tpu.memory_space<hbm>>) dst(%arg9 : memref<16xi32, #tpu.memory_space<vmem>>)
        tpu.yield
      }) : () -> ()
      "tpu.region"() ({
        %run_scoped3A = tpu.sem_alloc : memref<!tpu.dma_semaphore, #tpu.memory_space<semaphore_mem>>
        %dma_start3A = arith.constant 0 : i32
        %dma_start3A_37 = tpu.memref_slice %arg2[%add3A_1, %add3A_35, %dma_start3A] : memref<5x160000x128xf32, #tpu.memory_space<hbm>> -> memref<1x16x128xf32, #tpu.memory_space<hbm>>
        %dma_start3A_38 = tpu.memref_squeeze %dma_start3A_37 : memref<1x16x128xf32, #tpu.memory_space<hbm>> -> memref<16x128xf32, #tpu.memory_space<hbm>>
        %dma_start3A_39 = arith.constant 0 : i32
        %dma_start3A_40 = tpu.memref_slice %arg2[%add3A_1, %add3A_35, %dma_start3A_39] : memref<5x160000x128xf32, #tpu.memory_space<hbm>> -> memref<1x16x128xf32, #tpu.memory_space<hbm>>
        %dma_start3A_41 = tpu.memref_squeeze %dma_start3A_40 : memref<1x16x128xf32, #tpu.memory_space<hbm>> -> memref<16x128xf32, #tpu.memory_space<hbm>>
        tpu.enqueue_dma source(%dma_start3A_41 : memref<16x128xf32, #tpu.memory_space<hbm>>) target(%arg10 : memref<16x128xf32, #tpu.memory_space<vmem>>) target_semaphore(%run_scoped3A : memref<!tpu.dma_semaphore, #tpu.memory_space<semaphore_mem>>)
        %dma_wait3A = arith.constant 0 : i32
        %dma_wait3A_42 = tpu.memref_slice %arg2[%add3A_1, %add3A_35, %dma_wait3A] : memref<5x160000x128xf32, #tpu.memory_space<hbm>> -> memref<1x16x128xf32, #tpu.memory_space<hbm>>
        %dma_wait3A_43 = tpu.memref_squeeze %dma_wait3A_42 : memref<1x16x128xf32, #tpu.memory_space<hbm>> -> memref<16x128xf32, #tpu.memory_space<hbm>>
        %dma_wait3A_44 = arith.constant 0 : i32
        %dma_wait3A_45 = tpu.memref_slice %arg2[%add3A_1, %add3A_35, %dma_wait3A_44] : memref<5x160000x128xf32, #tpu.memory_space<hbm>> -> memref<1x16x128xf32, #tpu.memory_space<hbm>>
        %dma_wait3A_46 = tpu.memref_squeeze %dma_wait3A_45 : memref<1x16x128xf32, #tpu.memory_space<hbm>> -> memref<16x128xf32, #tpu.memory_space<hbm>>
        tpu.wait_dma2 semaphore(%run_scoped3A : memref<!tpu.dma_semaphore, #tpu.memory_space<semaphore_mem>>) src(%dma_wait3A_46 : memref<16x128xf32, #tpu.memory_space<hbm>>) dst(%arg10 : memref<16x128xf32, #tpu.memory_space<vmem>>)
        tpu.yield
      }) : () -> ()
      "tpu.region"() ({
        %run_scoped3A = tpu.sem_alloc : memref<!tpu.dma_semaphore, #tpu.memory_space<semaphore_mem>>
        %dma_start3A = arith.constant 0 : i32
        %dma_start3A_37 = arith.constant 0 : i32
        %dma_start3A_38 = tpu.memref_slice %arg11[%dma_start3A, %dma_start3A_37] : memref<10240x128xf32, #tpu.memory_space<vmem_shared>> -> memref<10240x128xf32, #tpu.memory_space<vmem_shared>>
        tpu.enqueue_indirect_dma source(%arg10 : memref<16x128xf32, #tpu.memory_space<vmem>>) target(%dma_start3A_38 : memref<10240x128xf32, #tpu.memory_space<vmem_shared>>) offsets(%arg9 : memref<16xi32, #tpu.memory_space<vmem>>) semaphore(%run_scoped3A : memref<!tpu.dma_semaphore, #tpu.memory_space<semaphore_mem>>) {add = true}
        %dma_wait3A = arith.constant 0 : i32
        %dma_wait3A_39 = arith.constant 0 : i32
        %dma_wait3A_40 = tpu.memref_slice %arg11[%dma_wait3A, %dma_wait3A_39] : memref<10240x128xf32, #tpu.memory_space<vmem_shared>> -> memref<10240x128xf32, #tpu.memory_space<vmem_shared>>
        tpu.wait_indirect_dma semaphore(%run_scoped3A : memref<!tpu.dma_semaphore, #tpu.memory_space<semaphore_mem>>) src(%arg10 : memref<16x128xf32, #tpu.memory_space<vmem>>) dst(%dma_wait3A_40 : memref<10240x128xf32, #tpu.memory_space<vmem_shared>>)
        tpu.yield
      }) : () -> ()
      %barrier3A_36 = arith.constant 0 : index
      tpu.barrier barrier_id(%barrier3A_36)
      "tpu.region"() ({
        %run_scoped3A = tpu.sem_alloc : memref<!tpu.dma_semaphore, #tpu.memory_space<semaphore_mem>>
        %dma_start3A = arith.constant 0 : i32
        %dma_start3A_37 = tpu.memref_slice %arg6[%add3A_1, %mul3A_0, %dma_start3A] : memref<5x10240x128xf32, #tpu.memory_space<hbm>> -> memref<1x640x128xf32, #tpu.memory_space<hbm>>
        %dma_start3A_38 = tpu.memref_squeeze %dma_start3A_37 : memref<1x640x128xf32, #tpu.memory_space<hbm>> -> memref<640x128xf32, #tpu.memory_space<hbm>>
        %dma_start3A_39 = arith.constant 0 : i32
        %dma_start3A_40 = tpu.memref_slice %arg11[%mul3A_0, %dma_start3A_39] : memref<10240x128xf32, #tpu.memory_space<vmem_shared>> -> memref<640x128xf32, #tpu.memory_space<vmem_shared>>
        tpu.enqueue_dma source(%dma_start3A_40 : memref<640x128xf32, #tpu.memory_space<vmem_shared>>) target(%dma_start3A_38 : memref<640x128xf32, #tpu.memory_space<hbm>>) target_semaphore(%run_scoped3A : memref<!tpu.dma_semaphore, #tpu.memory_space<semaphore_mem>>)
        %dma_wait3A = arith.constant 0 : i32
        %dma_wait3A_41 = tpu.memref_slice %arg6[%add3A_1, %mul3A_0, %dma_wait3A] : memref<5x10240x128xf32, #tpu.memory_space<hbm>> -> memref<1x640x128xf32, #tpu.memory_space<hbm>>
        %dma_wait3A_42 = tpu.memref_squeeze %dma_wait3A_41 : memref<1x640x128xf32, #tpu.memory_space<hbm>> -> memref<640x128xf32, #tpu.memory_space<hbm>>
        %dma_wait3A_43 = arith.constant 0 : i32
        %dma_wait3A_44 = tpu.memref_slice %arg11[%mul3A_0, %dma_wait3A_43] : memref<10240x128xf32, #tpu.memory_space<vmem_shared>> -> memref<640x128xf32, #tpu.memory_space<vmem_shared>>
        tpu.wait_dma2 semaphore(%run_scoped3A : memref<!tpu.dma_semaphore, #tpu.memory_space<semaphore_mem>>) src(%dma_wait3A_44 : memref<640x128xf32, #tpu.memory_space<vmem_shared>>) dst(%dma_wait3A_42 : memref<640x128xf32, #tpu.memory_space<hbm>>)
        tpu.yield
      }) : () -> ()
    } else {
    }
    %add3A_4 = arith.constant 2 : i32
    %add3A_5 = arith.addi %arg0, %add3A_4 : i32
    %lt3A_6 = arith.constant 5 : i32
    %lt3A_7 = arith.cmpi slt, %add3A_5, %lt3A_6 : i32
    %convert_element_type3A_8 = arith.extui %lt3A_7 : i1 to i32
    %cond3A_9 = arith.constant 0 : i32
    %cond3A_10 = arith.cmpi ne, %convert_element_type3A_8, %cond3A_9 : i32
    scf.if %cond3A_10 {
      %eq3A = arith.constant 0 : i32
      %eq3A_18 = arith.cmpi eq, %add3A_5, %eq3A : i32
      %convert_element_type3A_19 = arith.extui %eq3A_18 : i1 to i32
      %cond3A_20 = arith.constant 0 : i32
      %cond3A_21 = arith.cmpi ne, %convert_element_type3A_19, %cond3A_20 : i32
      scf.if %cond3A_21 {
        "tpu.region"() ({
          %run_scoped3A = tpu.sem_alloc : memref<!tpu.dma_semaphore, #tpu.memory_space<semaphore_mem>>
          %dma_start3A = arith.constant 0 : i32
          %dma_start3A_37 = tpu.memref_slice %arg11[%mul3A_0, %dma_start3A] : memref<10240x128xf32, #tpu.memory_space<vmem_shared>> -> memref<640x128xf32, #tpu.memory_space<vmem_shared>>
          %dma_start3A_38 = arith.constant 0 : i32
          %dma_start3A_39 = tpu.memref_slice %arg4[%mul3A_0, %dma_start3A_38] : memref<10240x128xf32, #tpu.memory_space<hbm>> -> memref<640x128xf32, #tpu.memory_space<hbm>>
          tpu.enqueue_dma source(%dma_start3A_39 : memref<640x128xf32, #tpu.memory_space<hbm>>) target(%dma_start3A_37 : memref<640x128xf32, #tpu.memory_space<vmem_shared>>) target_semaphore(%run_scoped3A : memref<!tpu.dma_semaphore, #tpu.memory_space<semaphore_mem>>)
          %dma_wait3A = arith.constant 0 : i32
          %dma_wait3A_40 = tpu.memref_slice %arg11[%mul3A_0, %dma_wait3A] : memref<10240x128xf32, #tpu.memory_space<vmem_shared>> -> memref<640x128xf32, #tpu.memory_space<vmem_shared>>
          %dma_wait3A_41 = arith.constant 0 : i32
          %dma_wait3A_42 = tpu.memref_slice %arg4[%mul3A_0, %dma_wait3A_41] : memref<10240x128xf32, #tpu.memory_space<hbm>> -> memref<640x128xf32, #tpu.memory_space<hbm>>
          tpu.wait_dma2 semaphore(%run_scoped3A : memref<!tpu.dma_semaphore, #tpu.memory_space<semaphore_mem>>) src(%dma_wait3A_42 : memref<640x128xf32, #tpu.memory_space<hbm>>) dst(%dma_wait3A_40 : memref<640x128xf32, #tpu.memory_space<vmem_shared>>)
          tpu.yield
        }) : () -> ()
      } else {
      }
      %ne3A = arith.constant 0 : i32
      %ne3A_22 = arith.cmpi ne, %add3A_5, %ne3A : i32
      %convert_element_type3A_23 = arith.extui %ne3A_22 : i1 to i32
      %cond3A_24 = arith.constant 0 : i32
      %cond3A_25 = arith.cmpi ne, %convert_element_type3A_23, %cond3A_24 : i32
      scf.if %cond3A_25 {
        "tpu.region"() ({
          %run_scoped3A = tpu.sem_alloc : memref<!tpu.dma_semaphore, #tpu.memory_space<semaphore_mem>>
          %dma_start3A = arith.constant 0 : i32
          %dma_start3A_37 = tpu.memref_slice %arg11[%mul3A_0, %dma_start3A] : memref<10240x128xf32, #tpu.memory_space<vmem_shared>> -> memref<640x128xf32, #tpu.memory_space<vmem_shared>>
          tpu.enqueue_dma source(%arg5 : memref<640x128xf32, #tpu.memory_space<hbm>>) target(%dma_start3A_37 : memref<640x128xf32, #tpu.memory_space<vmem_shared>>) target_semaphore(%run_scoped3A : memref<!tpu.dma_semaphore, #tpu.memory_space<semaphore_mem>>)
          %dma_wait3A = arith.constant 0 : i32
          %dma_wait3A_38 = tpu.memref_slice %arg11[%mul3A_0, %dma_wait3A] : memref<10240x128xf32, #tpu.memory_space<vmem_shared>> -> memref<640x128xf32, #tpu.memory_space<vmem_shared>>
          tpu.wait_dma2 semaphore(%run_scoped3A : memref<!tpu.dma_semaphore, #tpu.memory_space<semaphore_mem>>) src(%arg5 : memref<640x128xf32, #tpu.memory_space<hbm>>) dst(%dma_wait3A_38 : memref<640x128xf32, #tpu.memory_space<vmem_shared>>)
          tpu.yield
        }) : () -> ()
      } else {
      }
      %barrier3A = arith.constant 0 : index
      tpu.barrier barrier_id(%barrier3A)
      %scan3A = arith.constant 0 : i32
      %scan3A_26 = arith.constant 0 : i32
      %scan3A_27 = arith.constant 78 : i32
      %scan3A_28 = arith.addi %scan3A_26, %scan3A_27 : i32
      %scan3A_29 = arith.constant 1 : i32
      %scan3A_30 = scf.for %scan3A_37 = %scan3A_26 to %scan3A_28 step %scan3A_29 iter_args(%scan3A_38 = %scan3A) -> (i32)  : i32 {
        %mul3A_39 = arith.constant 10000 : i32
        %mul3A_40 = arith.muli %arg1, %mul3A_39 : i32
        %mul3A_41 = arith.constant 128 : i32
        %mul3A_42 = arith.muli %scan3A_37, %mul3A_41 : i32
        %add3A_43 = arith.addi %mul3A_40, %mul3A_42 : i32
        "tpu.region"() ({
          %run_scoped3A = tpu.sem_alloc : memref<!tpu.dma_semaphore, #tpu.memory_space<semaphore_mem>>
          %dma_start3A = tpu.memref_slice %arg3[%add3A_43] : memref<160000xi32, #tpu.memory_space<hbm>> -> memref<128xi32, #tpu.memory_space<hbm>>
          %dma_start3A_45 = tpu.memref_slice %arg3[%add3A_43] : memref<160000xi32, #tpu.memory_space<hbm>> -> memref<128xi32, #tpu.memory_space<hbm>>
          tpu.enqueue_dma source(%dma_start3A_45 : memref<128xi32, #tpu.memory_space<hbm>>) target(%arg7 : memref<128xi32, #tpu.memory_space<vmem>>) target_semaphore(%run_scoped3A : memref<!tpu.dma_semaphore, #tpu.memory_space<semaphore_mem>>)
          %dma_wait3A = tpu.memref_slice %arg3[%add3A_43] : memref<160000xi32, #tpu.memory_space<hbm>> -> memref<128xi32, #tpu.memory_space<hbm>>
          %dma_wait3A_46 = tpu.memref_slice %arg3[%add3A_43] : memref<160000xi32, #tpu.memory_space<hbm>> -> memref<128xi32, #tpu.memory_space<hbm>>
          tpu.wait_dma2 semaphore(%run_scoped3A : memref<!tpu.dma_semaphore, #tpu.memory_space<semaphore_mem>>) src(%dma_wait3A_46 : memref<128xi32, #tpu.memory_space<hbm>>) dst(%arg7 : memref<128xi32, #tpu.memory_space<vmem>>)
          tpu.yield
        }) : () -> ()
        "tpu.region"() ({
          %run_scoped3A = tpu.sem_alloc : memref<!tpu.dma_semaphore, #tpu.memory_space<semaphore_mem>>
          %dma_start3A = arith.constant 0 : i32
          %dma_start3A_45 = tpu.memref_slice %arg2[%add3A_5, %add3A_43, %dma_start3A] : memref<5x160000x128xf32, #tpu.memory_space<hbm>> -> memref<1x128x128xf32, #tpu.memory_space<hbm>>
          %dma_start3A_46 = tpu.memref_squeeze %dma_start3A_45 : memref<1x128x128xf32, #tpu.memory_space<hbm>> -> memref<128x128xf32, #tpu.memory_space<hbm>>
          %dma_start3A_47 = arith.constant 0 : i32
          %dma_start3A_48 = tpu.memref_slice %arg2[%add3A_5, %add3A_43, %dma_start3A_47] : memref<5x160000x128xf32, #tpu.memory_space<hbm>> -> memref<1x128x128xf32, #tpu.memory_space<hbm>>
          %dma_start3A_49 = tpu.memref_squeeze %dma_start3A_48 : memref<1x128x128xf32, #tpu.memory_space<hbm>> -> memref<128x128xf32, #tpu.memory_space<hbm>>
          tpu.enqueue_dma source(%dma_start3A_49 : memref<128x128xf32, #tpu.memory_space<hbm>>) target(%arg8 : memref<128x128xf32, #tpu.memory_space<vmem>>) target_semaphore(%run_scoped3A : memref<!tpu.dma_semaphore, #tpu.memory_space<semaphore_mem>>)
          %dma_wait3A = arith.constant 0 : i32
          %dma_wait3A_50 = tpu.memref_slice %arg2[%add3A_5, %add3A_43, %dma_wait3A] : memref<5x160000x128xf32, #tpu.memory_space<hbm>> -> memref<1x128x128xf32, #tpu.memory_space<hbm>>
          %dma_wait3A_51 = tpu.memref_squeeze %dma_wait3A_50 : memref<1x128x128xf32, #tpu.memory_space<hbm>> -> memref<128x128xf32, #tpu.memory_space<hbm>>
          %dma_wait3A_52 = arith.constant 0 : i32
          %dma_wait3A_53 = tpu.memref_slice %arg2[%add3A_5, %add3A_43, %dma_wait3A_52] : memref<5x160000x128xf32, #tpu.memory_space<hbm>> -> memref<1x128x128xf32, #tpu.memory_space<hbm>>
          %dma_wait3A_54 = tpu.memref_squeeze %dma_wait3A_53 : memref<1x128x128xf32, #tpu.memory_space<hbm>> -> memref<128x128xf32, #tpu.memory_space<hbm>>
          tpu.wait_dma2 semaphore(%run_scoped3A : memref<!tpu.dma_semaphore, #tpu.memory_space<semaphore_mem>>) src(%dma_wait3A_54 : memref<128x128xf32, #tpu.memory_space<hbm>>) dst(%arg8 : memref<128x128xf32, #tpu.memory_space<vmem>>)
          tpu.yield
        }) : () -> ()
        "tpu.region"() ({
          %run_scoped3A = tpu.sem_alloc : memref<!tpu.dma_semaphore, #tpu.memory_space<semaphore_mem>>
          %dma_start3A = arith.constant 0 : i32
          %dma_start3A_45 = arith.constant 0 : i32
          %dma_start3A_46 = tpu.memref_slice %arg11[%dma_start3A, %dma_start3A_45] : memref<10240x128xf32, #tpu.memory_space<vmem_shared>> -> memref<10240x128xf32, #tpu.memory_space<vmem_shared>>
          tpu.enqueue_indirect_dma source(%arg8 : memref<128x128xf32, #tpu.memory_space<vmem>>) target(%dma_start3A_46 : memref<10240x128xf32, #tpu.memory_space<vmem_shared>>) offsets(%arg7 : memref<128xi32, #tpu.memory_space<vmem>>) semaphore(%run_scoped3A : memref<!tpu.dma_semaphore, #tpu.memory_space<semaphore_mem>>) {add = true}
          %dma_wait3A = arith.constant 0 : i32
          %dma_wait3A_47 = arith.constant 0 : i32
          %dma_wait3A_48 = tpu.memref_slice %arg11[%dma_wait3A, %dma_wait3A_47] : memref<10240x128xf32, #tpu.memory_space<vmem_shared>> -> memref<10240x128xf32, #tpu.memory_space<vmem_shared>>
          tpu.wait_indirect_dma semaphore(%run_scoped3A : memref<!tpu.dma_semaphore, #tpu.memory_space<semaphore_mem>>) src(%arg8 : memref<128x128xf32, #tpu.memory_space<vmem>>) dst(%dma_wait3A_48 : memref<10240x128xf32, #tpu.memory_space<vmem_shared>>)
          tpu.yield
        }) : () -> ()
        %scan3A_44 = arith.constant 0 : i32
        scf.yield %scan3A_44 : i32
      }
      %scan3A_31 = arith.constant 78 : i32
      %mul3A_32 = arith.constant 10000 : i32
      %mul3A_33 = arith.muli %arg1, %mul3A_32 : i32
      %add3A_34 = arith.constant 9984 : i32
      %add3A_35 = arith.addi %mul3A_33, %add3A_34 : i32
      "tpu.region"() ({
        %run_scoped3A = tpu.sem_alloc : memref<!tpu.dma_semaphore, #tpu.memory_space<semaphore_mem>>
        %dma_start3A = tpu.memref_slice %arg3[%add3A_35] : memref<160000xi32, #tpu.memory_space<hbm>> -> memref<16xi32, #tpu.memory_space<hbm>>
        %dma_start3A_37 = tpu.memref_slice %arg3[%add3A_35] : memref<160000xi32, #tpu.memory_space<hbm>> -> memref<16xi32, #tpu.memory_space<hbm>>
        tpu.enqueue_dma source(%dma_start3A_37 : memref<16xi32, #tpu.memory_space<hbm>>) target(%arg9 : memref<16xi32, #tpu.memory_space<vmem>>) target_semaphore(%run_scoped3A : memref<!tpu.dma_semaphore, #tpu.memory_space<semaphore_mem>>)
        %dma_wait3A = tpu.memref_slice %arg3[%add3A_35] : memref<160000xi32, #tpu.memory_space<hbm>> -> memref<16xi32, #tpu.memory_space<hbm>>
        %dma_wait3A_38 = tpu.memref_slice %arg3[%add3A_35] : memref<160000xi32, #tpu.memory_space<hbm>> -> memref<16xi32, #tpu.memory_space<hbm>>
        tpu.wait_dma2 semaphore(%run_scoped3A : memref<!tpu.dma_semaphore, #tpu.memory_space<semaphore_mem>>) src(%dma_wait3A_38 : memref<16xi32, #tpu.memory_space<hbm>>) dst(%arg9 : memref<16xi32, #tpu.memory_space<vmem>>)
        tpu.yield
      }) : () -> ()
      "tpu.region"() ({
        %run_scoped3A = tpu.sem_alloc : memref<!tpu.dma_semaphore, #tpu.memory_space<semaphore_mem>>
        %dma_start3A = arith.constant 0 : i32
        %dma_start3A_37 = tpu.memref_slice %arg2[%add3A_5, %add3A_35, %dma_start3A] : memref<5x160000x128xf32, #tpu.memory_space<hbm>> -> memref<1x16x128xf32, #tpu.memory_space<hbm>>
        %dma_start3A_38 = tpu.memref_squeeze %dma_start3A_37 : memref<1x16x128xf32, #tpu.memory_space<hbm>> -> memref<16x128xf32, #tpu.memory_space<hbm>>
        %dma_start3A_39 = arith.constant 0 : i32
        %dma_start3A_40 = tpu.memref_slice %arg2[%add3A_5, %add3A_35, %dma_start3A_39] : memref<5x160000x128xf32, #tpu.memory_space<hbm>> -> memref<1x16x128xf32, #tpu.memory_space<hbm>>
        %dma_start3A_41 = tpu.memref_squeeze %dma_start3A_40 : memref<1x16x128xf32, #tpu.memory_space<hbm>> -> memref<16x128xf32, #tpu.memory_space<hbm>>
        tpu.enqueue_dma source(%dma_start3A_41 : memref<16x128xf32, #tpu.memory_space<hbm>>) target(%arg10 : memref<16x128xf32, #tpu.memory_space<vmem>>) target_semaphore(%run_scoped3A : memref<!tpu.dma_semaphore, #tpu.memory_space<semaphore_mem>>)
        %dma_wait3A = arith.constant 0 : i32
        %dma_wait3A_42 = tpu.memref_slice %arg2[%add3A_5, %add3A_35, %dma_wait3A] : memref<5x160000x128xf32, #tpu.memory_space<hbm>> -> memref<1x16x128xf32, #tpu.memory_space<hbm>>
        %dma_wait3A_43 = tpu.memref_squeeze %dma_wait3A_42 : memref<1x16x128xf32, #tpu.memory_space<hbm>> -> memref<16x128xf32, #tpu.memory_space<hbm>>
        %dma_wait3A_44 = arith.constant 0 : i32
        %dma_wait3A_45 = tpu.memref_slice %arg2[%add3A_5, %add3A_35, %dma_wait3A_44] : memref<5x160000x128xf32, #tpu.memory_space<hbm>> -> memref<1x16x128xf32, #tpu.memory_space<hbm>>
        %dma_wait3A_46 = tpu.memref_squeeze %dma_wait3A_45 : memref<1x16x128xf32, #tpu.memory_space<hbm>> -> memref<16x128xf32, #tpu.memory_space<hbm>>
        tpu.wait_dma2 semaphore(%run_scoped3A : memref<!tpu.dma_semaphore, #tpu.memory_space<semaphore_mem>>) src(%dma_wait3A_46 : memref<16x128xf32, #tpu.memory_space<hbm>>) dst(%arg10 : memref<16x128xf32, #tpu.memory_space<vmem>>)
        tpu.yield
      }) : () -> ()
      "tpu.region"() ({
        %run_scoped3A = tpu.sem_alloc : memref<!tpu.dma_semaphore, #tpu.memory_space<semaphore_mem>>
        %dma_start3A = arith.constant 0 : i32
        %dma_start3A_37 = arith.constant 0 : i32
        %dma_start3A_38 = tpu.memref_slice %arg11[%dma_start3A, %dma_start3A_37] : memref<10240x128xf32, #tpu.memory_space<vmem_shared>> -> memref<10240x128xf32, #tpu.memory_space<vmem_shared>>
        tpu.enqueue_indirect_dma source(%arg10 : memref<16x128xf32, #tpu.memory_space<vmem>>) target(%dma_start3A_38 : memref<10240x128xf32, #tpu.memory_space<vmem_shared>>) offsets(%arg9 : memref<16xi32, #tpu.memory_space<vmem>>) semaphore(%run_scoped3A : memref<!tpu.dma_semaphore, #tpu.memory_space<semaphore_mem>>) {add = true}
        %dma_wait3A = arith.constant 0 : i32
        %dma_wait3A_39 = arith.constant 0 : i32
        %dma_wait3A_40 = tpu.memref_slice %arg11[%dma_wait3A, %dma_wait3A_39] : memref<10240x128xf32, #tpu.memory_space<vmem_shared>> -> memref<10240x128xf32, #tpu.memory_space<vmem_shared>>
        tpu.wait_indirect_dma semaphore(%run_scoped3A : memref<!tpu.dma_semaphore, #tpu.memory_space<semaphore_mem>>) src(%arg10 : memref<16x128xf32, #tpu.memory_space<vmem>>) dst(%dma_wait3A_40 : memref<10240x128xf32, #tpu.memory_space<vmem_shared>>)
        tpu.yield
      }) : () -> ()
      %barrier3A_36 = arith.constant 0 : index
      tpu.barrier barrier_id(%barrier3A_36)
      "tpu.region"() ({
        %run_scoped3A = tpu.sem_alloc : memref<!tpu.dma_semaphore, #tpu.memory_space<semaphore_mem>>
        %dma_start3A = arith.constant 0 : i32
        %dma_start3A_37 = tpu.memref_slice %arg6[%add3A_5, %mul3A_0, %dma_start3A] : memref<5x10240x128xf32, #tpu.memory_space<hbm>> -> memref<1x640x128xf32, #tpu.memory_space<hbm>>
        %dma_start3A_38 = tpu.memref_squeeze %dma_start3A_37 : memref<1x640x128xf32, #tpu.memory_space<hbm>> -> memref<640x128xf32, #tpu.memory_space<hbm>>
        %dma_start3A_39 = arith.constant 0 : i32
        %dma_start3A_40 = tpu.memref_slice %arg11[%mul3A_0, %dma_start3A_39] : memref<10240x128xf32, #tpu.memory_space<vmem_shared>> -> memref<640x128xf32, #tpu.memory_space<vmem_shared>>
        tpu.enqueue_dma source(%dma_start3A_40 : memref<640x128xf32, #tpu.memory_space<vmem_shared>>) target(%dma_start3A_38 : memref<640x128xf32, #tpu.memory_space<hbm>>) target_semaphore(%run_scoped3A : memref<!tpu.dma_semaphore, #tpu.memory_space<semaphore_mem>>)
        %dma_wait3A = arith.constant 0 : i32
        %dma_wait3A_41 = tpu.memref_slice %arg6[%add3A_5, %mul3A_0, %dma_wait3A] : memref<5x10240x128xf32, #tpu.memory_space<hbm>> -> memref<1x640x128xf32, #tpu.memory_space<hbm>>
        %dma_wait3A_42 = tpu.memref_squeeze %dma_wait3A_41 : memref<1x640x128xf32, #tpu.memory_space<hbm>> -> memref<640x128xf32, #tpu.memory_space<hbm>>
        %dma_wait3A_43 = arith.constant 0 : i32
        %dma_wait3A_44 = tpu.memref_slice %arg11[%mul3A_0, %dma_wait3A_43] : memref<10240x128xf32, #tpu.memory_space<vmem_shared>> -> memref<640x128xf32, #tpu.memory_space<vmem_shared>>
        tpu.wait_dma2 semaphore(%run_scoped3A : memref<!tpu.dma_semaphore, #tpu.memory_space<semaphore_mem>>) src(%dma_wait3A_44 : memref<640x128xf32, #tpu.memory_space<vmem_shared>>) dst(%dma_wait3A_42 : memref<640x128xf32, #tpu.memory_space<hbm>>)
        tpu.yield
      }) : () -> ()
    } else {
    }
    %add3A_11 = arith.constant 4 : i32
    %add3A_12 = arith.addi %arg0, %add3A_11 : i32
    %lt3A_13 = arith.constant 5 : i32
    %lt3A_14 = arith.cmpi slt, %add3A_12, %lt3A_13 : i32
    %convert_element_type3A_15 = arith.extui %lt3A_14 : i1 to i32
    %cond3A_16 = arith.constant 0 : i32
    %cond3A_17 = arith.cmpi ne, %convert_element_type3A_15, %cond3A_16 : i32
    scf.if %cond3A_17 {
      %eq3A = arith.constant 0 : i32
      %eq3A_18 = arith.cmpi eq, %add3A_12, %eq3A : i32
      %convert_element_type3A_19 = arith.extui %eq3A_18 : i1 to i32
      %cond3A_20 = arith.constant 0 : i32
      %cond3A_21 = arith.cmpi ne, %convert_element_type3A_19, %cond3A_20 : i32
      scf.if %cond3A_21 {
        "tpu.region"() ({
          %run_scoped3A = tpu.sem_alloc : memref<!tpu.dma_semaphore, #tpu.memory_space<semaphore_mem>>
          %dma_start3A = arith.constant 0 : i32
          %dma_start3A_37 = tpu.memref_slice %arg11[%mul3A_0, %dma_start3A] : memref<10240x128xf32, #tpu.memory_space<vmem_shared>> -> memref<640x128xf32, #tpu.memory_space<vmem_shared>>
          %dma_start3A_38 = arith.constant 0 : i32
          %dma_start3A_39 = tpu.memref_slice %arg4[%mul3A_0, %dma_start3A_38] : memref<10240x128xf32, #tpu.memory_space<hbm>> -> memref<640x128xf32, #tpu.memory_space<hbm>>
          tpu.enqueue_dma source(%dma_start3A_39 : memref<640x128xf32, #tpu.memory_space<hbm>>) target(%dma_start3A_37 : memref<640x128xf32, #tpu.memory_space<vmem_shared>>) target_semaphore(%run_scoped3A : memref<!tpu.dma_semaphore, #tpu.memory_space<semaphore_mem>>)
          %dma_wait3A = arith.constant 0 : i32
          %dma_wait3A_40 = tpu.memref_slice %arg11[%mul3A_0, %dma_wait3A] : memref<10240x128xf32, #tpu.memory_space<vmem_shared>> -> memref<640x128xf32, #tpu.memory_space<vmem_shared>>
          %dma_wait3A_41 = arith.constant 0 : i32
          %dma_wait3A_42 = tpu.memref_slice %arg4[%mul3A_0, %dma_wait3A_41] : memref<10240x128xf32, #tpu.memory_space<hbm>> -> memref<640x128xf32, #tpu.memory_space<hbm>>
          tpu.wait_dma2 semaphore(%run_scoped3A : memref<!tpu.dma_semaphore, #tpu.memory_space<semaphore_mem>>) src(%dma_wait3A_42 : memref<640x128xf32, #tpu.memory_space<hbm>>) dst(%dma_wait3A_40 : memref<640x128xf32, #tpu.memory_space<vmem_shared>>)
          tpu.yield
        }) : () -> ()
      } else {
      }
      %ne3A = arith.constant 0 : i32
      %ne3A_22 = arith.cmpi ne, %add3A_12, %ne3A : i32
      %convert_element_type3A_23 = arith.extui %ne3A_22 : i1 to i32
      %cond3A_24 = arith.constant 0 : i32
      %cond3A_25 = arith.cmpi ne, %convert_element_type3A_23, %cond3A_24 : i32
      scf.if %cond3A_25 {
        "tpu.region"() ({
          %run_scoped3A = tpu.sem_alloc : memref<!tpu.dma_semaphore, #tpu.memory_space<semaphore_mem>>
          %dma_start3A = arith.constant 0 : i32
          %dma_start3A_37 = tpu.memref_slice %arg11[%mul3A_0, %dma_start3A] : memref<10240x128xf32, #tpu.memory_space<vmem_shared>> -> memref<640x128xf32, #tpu.memory_space<vmem_shared>>
          tpu.enqueue_dma source(%arg5 : memref<640x128xf32, #tpu.memory_space<hbm>>) target(%dma_start3A_37 : memref<640x128xf32, #tpu.memory_space<vmem_shared>>) target_semaphore(%run_scoped3A : memref<!tpu.dma_semaphore, #tpu.memory_space<semaphore_mem>>)
          %dma_wait3A = arith.constant 0 : i32
          %dma_wait3A_38 = tpu.memref_slice %arg11[%mul3A_0, %dma_wait3A] : memref<10240x128xf32, #tpu.memory_space<vmem_shared>> -> memref<640x128xf32, #tpu.memory_space<vmem_shared>>
          tpu.wait_dma2 semaphore(%run_scoped3A : memref<!tpu.dma_semaphore, #tpu.memory_space<semaphore_mem>>) src(%arg5 : memref<640x128xf32, #tpu.memory_space<hbm>>) dst(%dma_wait3A_38 : memref<640x128xf32, #tpu.memory_space<vmem_shared>>)
          tpu.yield
        }) : () -> ()
      } else {
      }
      %barrier3A = arith.constant 0 : index
      tpu.barrier barrier_id(%barrier3A)
      %scan3A = arith.constant 0 : i32
      %scan3A_26 = arith.constant 0 : i32
      %scan3A_27 = arith.constant 78 : i32
      %scan3A_28 = arith.addi %scan3A_26, %scan3A_27 : i32
      %scan3A_29 = arith.constant 1 : i32
      %scan3A_30 = scf.for %scan3A_37 = %scan3A_26 to %scan3A_28 step %scan3A_29 iter_args(%scan3A_38 = %scan3A) -> (i32)  : i32 {
        %mul3A_39 = arith.constant 10000 : i32
        %mul3A_40 = arith.muli %arg1, %mul3A_39 : i32
        %mul3A_41 = arith.constant 128 : i32
        %mul3A_42 = arith.muli %scan3A_37, %mul3A_41 : i32
        %add3A_43 = arith.addi %mul3A_40, %mul3A_42 : i32
        "tpu.region"() ({
          %run_scoped3A = tpu.sem_alloc : memref<!tpu.dma_semaphore, #tpu.memory_space<semaphore_mem>>
          %dma_start3A = tpu.memref_slice %arg3[%add3A_43] : memref<160000xi32, #tpu.memory_space<hbm>> -> memref<128xi32, #tpu.memory_space<hbm>>
          %dma_start3A_45 = tpu.memref_slice %arg3[%add3A_43] : memref<160000xi32, #tpu.memory_space<hbm>> -> memref<128xi32, #tpu.memory_space<hbm>>
          tpu.enqueue_dma source(%dma_start3A_45 : memref<128xi32, #tpu.memory_space<hbm>>) target(%arg7 : memref<128xi32, #tpu.memory_space<vmem>>) target_semaphore(%run_scoped3A : memref<!tpu.dma_semaphore, #tpu.memory_space<semaphore_mem>>)
          %dma_wait3A = tpu.memref_slice %arg3[%add3A_43] : memref<160000xi32, #tpu.memory_space<hbm>> -> memref<128xi32, #tpu.memory_space<hbm>>
          %dma_wait3A_46 = tpu.memref_slice %arg3[%add3A_43] : memref<160000xi32, #tpu.memory_space<hbm>> -> memref<128xi32, #tpu.memory_space<hbm>>
          tpu.wait_dma2 semaphore(%run_scoped3A : memref<!tpu.dma_semaphore, #tpu.memory_space<semaphore_mem>>) src(%dma_wait3A_46 : memref<128xi32, #tpu.memory_space<hbm>>) dst(%arg7 : memref<128xi32, #tpu.memory_space<vmem>>)
          tpu.yield
        }) : () -> ()
        "tpu.region"() ({
          %run_scoped3A = tpu.sem_alloc : memref<!tpu.dma_semaphore, #tpu.memory_space<semaphore_mem>>
          %dma_start3A = arith.constant 0 : i32
          %dma_start3A_45 = tpu.memref_slice %arg2[%add3A_12, %add3A_43, %dma_start3A] : memref<5x160000x128xf32, #tpu.memory_space<hbm>> -> memref<1x128x128xf32, #tpu.memory_space<hbm>>
          %dma_start3A_46 = tpu.memref_squeeze %dma_start3A_45 : memref<1x128x128xf32, #tpu.memory_space<hbm>> -> memref<128x128xf32, #tpu.memory_space<hbm>>
          %dma_start3A_47 = arith.constant 0 : i32
          %dma_start3A_48 = tpu.memref_slice %arg2[%add3A_12, %add3A_43, %dma_start3A_47] : memref<5x160000x128xf32, #tpu.memory_space<hbm>> -> memref<1x128x128xf32, #tpu.memory_space<hbm>>
          %dma_start3A_49 = tpu.memref_squeeze %dma_start3A_48 : memref<1x128x128xf32, #tpu.memory_space<hbm>> -> memref<128x128xf32, #tpu.memory_space<hbm>>
          tpu.enqueue_dma source(%dma_start3A_49 : memref<128x128xf32, #tpu.memory_space<hbm>>) target(%arg8 : memref<128x128xf32, #tpu.memory_space<vmem>>) target_semaphore(%run_scoped3A : memref<!tpu.dma_semaphore, #tpu.memory_space<semaphore_mem>>)
          %dma_wait3A = arith.constant 0 : i32
          %dma_wait3A_50 = tpu.memref_slice %arg2[%add3A_12, %add3A_43, %dma_wait3A] : memref<5x160000x128xf32, #tpu.memory_space<hbm>> -> memref<1x128x128xf32, #tpu.memory_space<hbm>>
          %dma_wait3A_51 = tpu.memref_squeeze %dma_wait3A_50 : memref<1x128x128xf32, #tpu.memory_space<hbm>> -> memref<128x128xf32, #tpu.memory_space<hbm>>
          %dma_wait3A_52 = arith.constant 0 : i32
          %dma_wait3A_53 = tpu.memref_slice %arg2[%add3A_12, %add3A_43, %dma_wait3A_52] : memref<5x160000x128xf32, #tpu.memory_space<hbm>> -> memref<1x128x128xf32, #tpu.memory_space<hbm>>
          %dma_wait3A_54 = tpu.memref_squeeze %dma_wait3A_53 : memref<1x128x128xf32, #tpu.memory_space<hbm>> -> memref<128x128xf32, #tpu.memory_space<hbm>>
          tpu.wait_dma2 semaphore(%run_scoped3A : memref<!tpu.dma_semaphore, #tpu.memory_space<semaphore_mem>>) src(%dma_wait3A_54 : memref<128x128xf32, #tpu.memory_space<hbm>>) dst(%arg8 : memref<128x128xf32, #tpu.memory_space<vmem>>)
          tpu.yield
        }) : () -> ()
        "tpu.region"() ({
          %run_scoped3A = tpu.sem_alloc : memref<!tpu.dma_semaphore, #tpu.memory_space<semaphore_mem>>
          %dma_start3A = arith.constant 0 : i32
          %dma_start3A_45 = arith.constant 0 : i32
          %dma_start3A_46 = tpu.memref_slice %arg11[%dma_start3A, %dma_start3A_45] : memref<10240x128xf32, #tpu.memory_space<vmem_shared>> -> memref<10240x128xf32, #tpu.memory_space<vmem_shared>>
          tpu.enqueue_indirect_dma source(%arg8 : memref<128x128xf32, #tpu.memory_space<vmem>>) target(%dma_start3A_46 : memref<10240x128xf32, #tpu.memory_space<vmem_shared>>) offsets(%arg7 : memref<128xi32, #tpu.memory_space<vmem>>) semaphore(%run_scoped3A : memref<!tpu.dma_semaphore, #tpu.memory_space<semaphore_mem>>) {add = true}
          %dma_wait3A = arith.constant 0 : i32
          %dma_wait3A_47 = arith.constant 0 : i32
          %dma_wait3A_48 = tpu.memref_slice %arg11[%dma_wait3A, %dma_wait3A_47] : memref<10240x128xf32, #tpu.memory_space<vmem_shared>> -> memref<10240x128xf32, #tpu.memory_space<vmem_shared>>
          tpu.wait_indirect_dma semaphore(%run_scoped3A : memref<!tpu.dma_semaphore, #tpu.memory_space<semaphore_mem>>) src(%arg8 : memref<128x128xf32, #tpu.memory_space<vmem>>) dst(%dma_wait3A_48 : memref<10240x128xf32, #tpu.memory_space<vmem_shared>>)
          tpu.yield
        }) : () -> ()
        %scan3A_44 = arith.constant 0 : i32
        scf.yield %scan3A_44 : i32
      }
      %scan3A_31 = arith.constant 78 : i32
      %mul3A_32 = arith.constant 10000 : i32
      %mul3A_33 = arith.muli %arg1, %mul3A_32 : i32
      %add3A_34 = arith.constant 9984 : i32
      %add3A_35 = arith.addi %mul3A_33, %add3A_34 : i32
      "tpu.region"() ({
        %run_scoped3A = tpu.sem_alloc : memref<!tpu.dma_semaphore, #tpu.memory_space<semaphore_mem>>
        %dma_start3A = tpu.memref_slice %arg3[%add3A_35] : memref<160000xi32, #tpu.memory_space<hbm>> -> memref<16xi32, #tpu.memory_space<hbm>>
        %dma_start3A_37 = tpu.memref_slice %arg3[%add3A_35] : memref<160000xi32, #tpu.memory_space<hbm>> -> memref<16xi32, #tpu.memory_space<hbm>>
        tpu.enqueue_dma source(%dma_start3A_37 : memref<16xi32, #tpu.memory_space<hbm>>) target(%arg9 : memref<16xi32, #tpu.memory_space<vmem>>) target_semaphore(%run_scoped3A : memref<!tpu.dma_semaphore, #tpu.memory_space<semaphore_mem>>)
        %dma_wait3A = tpu.memref_slice %arg3[%add3A_35] : memref<160000xi32, #tpu.memory_space<hbm>> -> memref<16xi32, #tpu.memory_space<hbm>>
        %dma_wait3A_38 = tpu.memref_slice %arg3[%add3A_35] : memref<160000xi32, #tpu.memory_space<hbm>> -> memref<16xi32, #tpu.memory_space<hbm>>
        tpu.wait_dma2 semaphore(%run_scoped3A : memref<!tpu.dma_semaphore, #tpu.memory_space<semaphore_mem>>) src(%dma_wait3A_38 : memref<16xi32, #tpu.memory_space<hbm>>) dst(%arg9 : memref<16xi32, #tpu.memory_space<vmem>>)
        tpu.yield
      }) : () -> ()
      "tpu.region"() ({
        %run_scoped3A = tpu.sem_alloc : memref<!tpu.dma_semaphore, #tpu.memory_space<semaphore_mem>>
        %dma_start3A = arith.constant 0 : i32
        %dma_start3A_37 = tpu.memref_slice %arg2[%add3A_12, %add3A_35, %dma_start3A] : memref<5x160000x128xf32, #tpu.memory_space<hbm>> -> memref<1x16x128xf32, #tpu.memory_space<hbm>>
        %dma_start3A_38 = tpu.memref_squeeze %dma_start3A_37 : memref<1x16x128xf32, #tpu.memory_space<hbm>> -> memref<16x128xf32, #tpu.memory_space<hbm>>
        %dma_start3A_39 = arith.constant 0 : i32
        %dma_start3A_40 = tpu.memref_slice %arg2[%add3A_12, %add3A_35, %dma_start3A_39] : memref<5x160000x128xf32, #tpu.memory_space<hbm>> -> memref<1x16x128xf32, #tpu.memory_space<hbm>>
        %dma_start3A_41 = tpu.memref_squeeze %dma_start3A_40 : memref<1x16x128xf32, #tpu.memory_space<hbm>> -> memref<16x128xf32, #tpu.memory_space<hbm>>
        tpu.enqueue_dma source(%dma_start3A_41 : memref<16x128xf32, #tpu.memory_space<hbm>>) target(%arg10 : memref<16x128xf32, #tpu.memory_space<vmem>>) target_semaphore(%run_scoped3A : memref<!tpu.dma_semaphore, #tpu.memory_space<semaphore_mem>>)
        %dma_wait3A = arith.constant 0 : i32
        %dma_wait3A_42 = tpu.memref_slice %arg2[%add3A_12, %add3A_35, %dma_wait3A] : memref<5x160000x128xf32, #tpu.memory_space<hbm>> -> memref<1x16x128xf32, #tpu.memory_space<hbm>>
        %dma_wait3A_43 = tpu.memref_squeeze %dma_wait3A_42 : memref<1x16x128xf32, #tpu.memory_space<hbm>> -> memref<16x128xf32, #tpu.memory_space<hbm>>
        %dma_wait3A_44 = arith.constant 0 : i32
        %dma_wait3A_45 = tpu.memref_slice %arg2[%add3A_12, %add3A_35, %dma_wait3A_44] : memref<5x160000x128xf32, #tpu.memory_space<hbm>> -> memref<1x16x128xf32, #tpu.memory_space<hbm>>
        %dma_wait3A_46 = tpu.memref_squeeze %dma_wait3A_45 : memref<1x16x128xf32, #tpu.memory_space<hbm>> -> memref<16x128xf32, #tpu.memory_space<hbm>>
        tpu.wait_dma2 semaphore(%run_scoped3A : memref<!tpu.dma_semaphore, #tpu.memory_space<semaphore_mem>>) src(%dma_wait3A_46 : memref<16x128xf32, #tpu.memory_space<hbm>>) dst(%arg10 : memref<16x128xf32, #tpu.memory_space<vmem>>)
        tpu.yield
      }) : () -> ()
      "tpu.region"() ({
        %run_scoped3A = tpu.sem_alloc : memref<!tpu.dma_semaphore, #tpu.memory_space<semaphore_mem>>
        %dma_start3A = arith.constant 0 : i32
        %dma_start3A_37 = arith.constant 0 : i32
        %dma_start3A_38 = tpu.memref_slice %arg11[%dma_start3A, %dma_start3A_37] : memref<10240x128xf32, #tpu.memory_space<vmem_shared>> -> memref<10240x128xf32, #tpu.memory_space<vmem_shared>>
        tpu.enqueue_indirect_dma source(%arg10 : memref<16x128xf32, #tpu.memory_space<vmem>>) target(%dma_start3A_38 : memref<10240x128xf32, #tpu.memory_space<vmem_shared>>) offsets(%arg9 : memref<16xi32, #tpu.memory_space<vmem>>) semaphore(%run_scoped3A : memref<!tpu.dma_semaphore, #tpu.memory_space<semaphore_mem>>) {add = true}
        %dma_wait3A = arith.constant 0 : i32
        %dma_wait3A_39 = arith.constant 0 : i32
        %dma_wait3A_40 = tpu.memref_slice %arg11[%dma_wait3A, %dma_wait3A_39] : memref<10240x128xf32, #tpu.memory_space<vmem_shared>> -> memref<10240x128xf32, #tpu.memory_space<vmem_shared>>
        tpu.wait_indirect_dma semaphore(%run_scoped3A : memref<!tpu.dma_semaphore, #tpu.memory_space<semaphore_mem>>) src(%arg10 : memref<16x128xf32, #tpu.memory_space<vmem>>) dst(%dma_wait3A_40 : memref<10240x128xf32, #tpu.memory_space<vmem_shared>>)
        tpu.yield
      }) : () -> ()
      %barrier3A_36 = arith.constant 0 : index
      tpu.barrier barrier_id(%barrier3A_36)
      "tpu.region"() ({
        %run_scoped3A = tpu.sem_alloc : memref<!tpu.dma_semaphore, #tpu.memory_space<semaphore_mem>>
        %dma_start3A = arith.constant 0 : i32
        %dma_start3A_37 = tpu.memref_slice %arg6[%add3A_12, %mul3A_0, %dma_start3A] : memref<5x10240x128xf32, #tpu.memory_space<hbm>> -> memref<1x640x128xf32, #tpu.memory_space<hbm>>
        %dma_start3A_38 = tpu.memref_squeeze %dma_start3A_37 : memref<1x640x128xf32, #tpu.memory_space<hbm>> -> memref<640x128xf32, #tpu.memory_space<hbm>>
        %dma_start3A_39 = arith.constant 0 : i32
        %dma_start3A_40 = tpu.memref_slice %arg11[%mul3A_0, %dma_start3A_39] : memref<10240x128xf32, #tpu.memory_space<vmem_shared>> -> memref<640x128xf32, #tpu.memory_space<vmem_shared>>
        tpu.enqueue_dma source(%dma_start3A_40 : memref<640x128xf32, #tpu.memory_space<vmem_shared>>) target(%dma_start3A_38 : memref<640x128xf32, #tpu.memory_space<hbm>>) target_semaphore(%run_scoped3A : memref<!tpu.dma_semaphore, #tpu.memory_space<semaphore_mem>>)
        %dma_wait3A = arith.constant 0 : i32
        %dma_wait3A_41 = tpu.memref_slice %arg6[%add3A_12, %mul3A_0, %dma_wait3A] : memref<5x10240x128xf32, #tpu.memory_space<hbm>> -> memref<1x640x128xf32, #tpu.memory_space<hbm>>
        %dma_wait3A_42 = tpu.memref_squeeze %dma_wait3A_41 : memref<1x640x128xf32, #tpu.memory_space<hbm>> -> memref<640x128xf32, #tpu.memory_space<hbm>>
        %dma_wait3A_43 = arith.constant 0 : i32
        %dma_wait3A_44 = tpu.memref_slice %arg11[%mul3A_0, %dma_wait3A_43] : memref<10240x128xf32, #tpu.memory_space<vmem_shared>> -> memref<640x128xf32, #tpu.memory_space<vmem_shared>>
        tpu.wait_dma2 semaphore(%run_scoped3A : memref<!tpu.dma_semaphore, #tpu.memory_space<semaphore_mem>>) src(%dma_wait3A_44 : memref<640x128xf32, #tpu.memory_space<vmem_shared>>) dst(%dma_wait3A_42 : memref<640x128xf32, #tpu.memory_space<hbm>>)
        tpu.yield
      }) : () -> ()
    } else {
    }
    return
  }
}

module attributes {stable_mosaic.version = 14 : i64} {
  func.func @_edge_kernel(%arg0: i32, %arg1: memref<1000x3xf32, #tpu.memory_space<vmem>>, %arg2: memref<1000x1xi32, #tpu.memory_space<vmem>>, %arg3: memref<1000x1xi32, #tpu.memory_space<vmem>>, %arg4: memref<10240x1xi32, #tpu.memory_space<vmem>>, %arg5: memref<100x2048xf32, #tpu.memory_space<vmem>>, %arg6: memref<100x64xf32, #tpu.memory_space<vmem>>, %arg7: memref<64x64xf32, #tpu.memory_space<vmem>>, %arg8: memref<64x64xf32, #tpu.memory_space<vmem>>, %arg9: memref<64x64xf32, #tpu.memory_space<vmem>>, %arg10: memref<64x64xf32, #tpu.memory_space<vmem>>, %arg11: memref<5x1000x128xf32, #tpu.memory_space<vmem>>, %arg12: memref<10240x128xf32, #tpu.memory_space<vmem>>) attributes {dimension_semantics = [#tpu.dimension_semantics<arbitrary>], iteration_bounds = array<i64: 160>, scalar_prefetch = 0 : i64, scratch_operands = 0 : i64, tpu.core_type = #tpu.core_type<tc>, window_params = [{transform_indices = @transform_0, window_bounds = array<i64: 1000, 3>}, {transform_indices = @transform_1, window_bounds = array<i64: 1000, 1>}, {transform_indices = @transform_2, window_bounds = array<i64: 1000, 1>}, {pipeline_mode = #tpu.pipeline_mode<synchronous>, transform_indices = @transform_3, window_bounds = array<i64: 10240, 1>}, {pipeline_mode = #tpu.pipeline_mode<synchronous>, transform_indices = @transform_4, window_bounds = array<i64: 100, 2048>}, {pipeline_mode = #tpu.pipeline_mode<synchronous>, transform_indices = @transform_5, window_bounds = array<i64: 100, 64>}, {pipeline_mode = #tpu.pipeline_mode<synchronous>, transform_indices = @transform_6, window_bounds = array<i64: 64, 64>}, {pipeline_mode = #tpu.pipeline_mode<synchronous>, transform_indices = @transform_7, window_bounds = array<i64: 64, 64>}, {pipeline_mode = #tpu.pipeline_mode<synchronous>, transform_indices = @transform_8, window_bounds = array<i64: 64, 64>}, {pipeline_mode = #tpu.pipeline_mode<synchronous>, transform_indices = @transform_9, window_bounds = array<i64: 64, 64>}, {transform_indices = @transform_10, window_bounds = array<i64: 5, 1000, 128>}, {pipeline_mode = #tpu.pipeline_mode<synchronous>, transform_indices = @transform_11, window_bounds = array<i64: 10240, 128>}]} {
    %get3A = arith.constant 0 : index
    %get3A_0 = arith.constant 0 : index
    %get3A_1 = vector.load %arg1[%get3A, %get3A_0] : memref<1000x3xf32, #tpu.memory_space<vmem>>, vector<1000x3xf32>
    %slice3A = vector.extract_strided_slice %get3A_1 {offsets = [0, 0], sizes = [1000, 1], strides = [1, 1]} : vector<1000x3xf32> to vector<1000x1xf32>
    %slice3A_2 = vector.extract_strided_slice %get3A_1 {offsets = [0, 1], sizes = [1000, 1], strides = [1, 1]} : vector<1000x3xf32> to vector<1000x1xf32>
    %slice3A_3 = vector.extract_strided_slice %get3A_1 {offsets = [0, 2], sizes = [1000, 1], strides = [1, 1]} : vector<1000x3xf32> to vector<1000x1xf32>
    %mul3A = arith.mulf %slice3A, %slice3A : vector<1000x1xf32>
    %mul3A_4 = arith.mulf %slice3A_2, %slice3A_2 : vector<1000x1xf32>
    %add3A = arith.addf %mul3A, %mul3A_4 : vector<1000x1xf32>
    %mul3A_5 = arith.mulf %slice3A_3, %slice3A_3 : vector<1000x1xf32>
    %add3A_6 = arith.addf %add3A, %mul3A_5 : vector<1000x1xf32>
    %sqrt3A = math.sqrt %add3A_6 : vector<1000x1xf32>
    %add3A_7 = arith.constant 9.99999971E-10 : f32
    %add3A_8 = vector.broadcast %add3A_7 : f32 to vector<1000x1xf32>
    %add3A_9 = arith.addf %sqrt3A, %add3A_8 : vector<1000x1xf32>
    %div3A = arith.constant 1.000000e+00 : f32
    %div3A_10 = vector.broadcast %div3A : f32 to vector<1000x1xf32>
    %div3A_11 = arith.divf %div3A_10, %add3A_9 : vector<1000x1xf32>
    %mul3A_12 = arith.mulf %slice3A, %div3A_11 : vector<1000x1xf32>
    %mul3A_13 = arith.mulf %slice3A_2, %div3A_11 : vector<1000x1xf32>
    %mul3A_14 = arith.mulf %slice3A_3, %div3A_11 : vector<1000x1xf32>
    %div3A_15 = arith.constant 5.000000e+00 : f32
    %div3A_16 = vector.broadcast %div3A_15 : f32 to vector<1000x1xf32>
    %div3A_17 = arith.divf %sqrt3A, %div3A_16 : vector<1000x1xf32>
    %jit3A = arith.constant 0.000000e+00 : f32
    %jit3A_18 = arith.constant 1.000000e+00 : f32
    %max3A = vector.broadcast %jit3A : f32 to vector<1000x1xf32>
    %max3A_19 = arith.maximumf %max3A, %div3A_17 : vector<1000x1xf32>
    %min3A = vector.broadcast %jit3A_18 : f32 to vector<1000x1xf32>
    %min3A_20 = arith.minimumf %min3A, %max3A_19 : vector<1000x1xf32>
    %mul3A_21 = arith.constant 3.14159274 : f32
    %mul3A_22 = vector.broadcast %mul3A_21 : f32 to vector<1000x1xf32>
    %mul3A_23 = arith.mulf %mul3A_22, %min3A_20 : vector<1000x1xf32>
    %cos3A = math.cos %mul3A_23 : vector<1000x1xf32>
    %add3A_24 = arith.constant 1.000000e+00 : f32
    %add3A_25 = vector.broadcast %add3A_24 : f32 to vector<1000x1xf32>
    %add3A_26 = arith.addf %cos3A, %add3A_25 : vector<1000x1xf32>
    %mul3A_27 = arith.constant 5.000000e-01 : f32
    %mul3A_28 = vector.broadcast %mul3A_27 : f32 to vector<1000x1xf32>
    %mul3A_29 = arith.mulf %mul3A_28, %add3A_26 : vector<1000x1xf32>
    %get3A_30 = arith.constant 0 : index
    %get3A_31 = arith.constant 0 : index
    %get3A_32 = vector.load %arg3[%get3A_30, %get3A_31] : memref<1000x1xi32, #tpu.memory_space<vmem>>, vector<1000x1xi32>
    %iota3A = tpu.iota {dimensions = array<i32: 1>} : vector<1x100xi32>
    %eq3A = vector.broadcast %get3A_32 : vector<1000x1xi32> to vector<1000x100xi32>
    %eq3A_33 = vector.broadcast %iota3A : vector<1x100xi32> to vector<1000x100xi32>
    %eq3A_34 = arith.cmpi eq, %eq3A, %eq3A_33 : vector<1000x100xi32>
    %convert_element_type3A = arith.extui %eq3A_34 : vector<1000x100xi1> to vector<1000x100xi32>
    %convert_element_type3A_35 = arith.sitofp %convert_element_type3A : vector<1000x100xi32> to vector<1000x100xf32>
    %get3A_36 = arith.constant 0 : index
    %get3A_37 = arith.constant 0 : index
    %get3A_38 = vector.load %arg5[%get3A_36, %get3A_37] : memref<100x2048xf32, #tpu.memory_space<vmem>>, vector<100x2048xf32>
    %dot_general3A = arith.constant dense<0.000000e+00> : vector<1000x2048xf32>
    %dot_general3A_39 = tpu.matmul %convert_element_type3A_35, %get3A_38, %dot_general3A {dimension_numbers = #tpu.dot_dimension_numbers<[1], [0], [0], [1], [0, 0, 1, 1], [], []>, transpose_lhs_hint = false} : vector<1000x100xf32>, vector<100x2048xf32>, vector<1000x2048xf32> -> vector<1000x2048xf32>
    %iota3A_40 = tpu.iota {dimensions = array<i32: 1>} : vector<1x2048xi32>
    %jit3A_41 = arith.constant 64 : i32
    %div3A_42 = vector.broadcast %jit3A_41 : i32 to vector<1x2048xi32>
    %div3A_43 = arith.divsi %iota3A_40, %div3A_42 : vector<1x2048xi32>
    %sign3A = arith.constant 0 : i32
    %sign3A_44 = vector.broadcast %sign3A : i32 to vector<1x2048xi32>
    %sign3A_45 = arith.cmpi sgt, %iota3A_40, %sign3A_44 : vector<1x2048xi32>
    %sign3A_46 = arith.extui %sign3A_45 : vector<1x2048xi1> to vector<1x2048xi32>
    %sign3A_47 = arith.constant 0 : i32
    %sign3A_48 = vector.broadcast %sign3A_47 : i32 to vector<1x2048xi32>
    %sign3A_49 = arith.cmpi slt, %iota3A_40, %sign3A_48 : vector<1x2048xi32>
    %sign3A_50 = arith.extui %sign3A_49 : vector<1x2048xi1> to vector<1x2048xi32>
    %sign3A_51 = arith.subi %sign3A_46, %sign3A_50 : vector<1x2048xi32>
    %sign3A_52 = arith.constant 0 : i32
    %sign3A_53 = arith.cmpi sgt, %jit3A_41, %sign3A_52 : i32
    %sign3A_54 = arith.extui %sign3A_53 : i1 to i32
    %sign3A_55 = arith.constant 0 : i32
    %sign3A_56 = arith.cmpi slt, %jit3A_41, %sign3A_55 : i32
    %sign3A_57 = arith.extui %sign3A_56 : i1 to i32
    %sign3A_58 = arith.subi %sign3A_54, %sign3A_57 : i32
    %ne3A = vector.broadcast %sign3A_58 : i32 to vector<1x2048xi32>
    %ne3A_59 = arith.cmpi ne, %sign3A_51, %ne3A : vector<1x2048xi32>
    %rem3A = vector.broadcast %jit3A_41 : i32 to vector<1x2048xi32>
    %rem3A_60 = arith.remsi %iota3A_40, %rem3A : vector<1x2048xi32>
    %ne3A_61 = arith.constant 0 : i32
    %ne3A_62 = vector.broadcast %ne3A_61 : i32 to vector<1x2048xi32>
    %ne3A_63 = arith.cmpi ne, %rem3A_60, %ne3A_62 : vector<1x2048xi32>
    %and3A = arith.andi %ne3A_59, %ne3A_63 : vector<1x2048xi1>
    %sub3A = arith.constant 1 : i32
    %sub3A_64 = vector.broadcast %sub3A : i32 to vector<1x2048xi32>
    %sub3A_65 = arith.subi %div3A_43, %sub3A_64 : vector<1x2048xi32>
    %select_n3A = arith.select %and3A, %sub3A_65, %div3A_43 : vector<1x2048xi1>, vector<1x2048xi32>
    %convert_element_type3A_66 = arith.sitofp %select_n3A : vector<1x2048xi32> to vector<1x2048xf32>
    %mul3A_67 = arith.constant 0.161290318 : f32
    %mul3A_68 = vector.broadcast %mul3A_67 : f32 to vector<1x2048xf32>
    %mul3A_69 = arith.mulf %convert_element_type3A_66, %mul3A_68 : vector<1x2048xf32>
    %sub3A_70 = vector.broadcast %sqrt3A : vector<1000x1xf32> to vector<1000x2048xf32>
    %sub3A_71 = vector.broadcast %mul3A_69 : vector<1x2048xf32> to vector<1000x2048xf32>
    %sub3A_72 = arith.subf %sub3A_70, %sub3A_71 : vector<1000x2048xf32>
    %mul3A_73 = arith.constant -4.000000e+00 : f32
    %mul3A_74 = vector.broadcast %mul3A_73 : f32 to vector<1000x2048xf32>
    %mul3A_75 = arith.mulf %mul3A_74, %sub3A_72 : vector<1000x2048xf32>
    %mul3A_76 = arith.mulf %mul3A_75, %sub3A_72 : vector<1000x2048xf32>
    %exp3A = math.exp %mul3A_76 : vector<1000x2048xf32>
    %mul3A_77 = vector.broadcast %mul3A_29 : vector<1000x1xf32> to vector<1000x2048xf32>
    %mul3A_78 = arith.mulf %exp3A, %mul3A_77 : vector<1000x2048xf32>
    %mul3A_79 = arith.mulf %mul3A_78, %dot_general3A_39 : vector<1000x2048xf32>
    %slice3A_80 = vector.extract_strided_slice %mul3A_79 {offsets = [0, 0], sizes = [1000, 1024], strides = [1, 1]} : vector<1000x2048xf32> to vector<1000x1024xf32>
    %slice3A_81 = vector.extract_strided_slice %mul3A_79 {offsets = [0, 1024], sizes = [1000, 1024], strides = [1, 1]} : vector<1000x2048xf32> to vector<1000x1024xf32>
    %add3A_82 = arith.addf %slice3A_80, %slice3A_81 : vector<1000x1024xf32>
    %slice3A_83 = vector.extract_strided_slice %add3A_82 {offsets = [0, 0], sizes = [1000, 512], strides = [1, 1]} : vector<1000x1024xf32> to vector<1000x512xf32>
    %slice3A_84 = vector.extract_strided_slice %add3A_82 {offsets = [0, 512], sizes = [1000, 512], strides = [1, 1]} : vector<1000x1024xf32> to vector<1000x512xf32>
    %add3A_85 = arith.addf %slice3A_83, %slice3A_84 : vector<1000x512xf32>
    %slice3A_86 = vector.extract_strided_slice %add3A_85 {offsets = [0, 0], sizes = [1000, 256], strides = [1, 1]} : vector<1000x512xf32> to vector<1000x256xf32>
    %slice3A_87 = vector.extract_strided_slice %add3A_85 {offsets = [0, 256], sizes = [1000, 256], strides = [1, 1]} : vector<1000x512xf32> to vector<1000x256xf32>
    %add3A_88 = arith.addf %slice3A_86, %slice3A_87 : vector<1000x256xf32>
    %slice3A_89 = vector.extract_strided_slice %add3A_88 {offsets = [0, 0], sizes = [1000, 128], strides = [1, 1]} : vector<1000x256xf32> to vector<1000x128xf32>
    %slice3A_90 = vector.extract_strided_slice %add3A_88 {offsets = [0, 128], sizes = [1000, 128], strides = [1, 1]} : vector<1000x256xf32> to vector<1000x128xf32>
    %add3A_91 = arith.addf %slice3A_89, %slice3A_90 : vector<1000x128xf32>
    %slice3A_92 = vector.extract_strided_slice %add3A_91 {offsets = [0, 0], sizes = [1000, 64], strides = [1, 1]} : vector<1000x128xf32> to vector<1000x64xf32>
    %slice3A_93 = vector.extract_strided_slice %add3A_91 {offsets = [0, 64], sizes = [1000, 64], strides = [1, 1]} : vector<1000x128xf32> to vector<1000x64xf32>
    %add3A_94 = arith.addf %slice3A_92, %slice3A_93 : vector<1000x64xf32>
    %get3A_95 = arith.constant 0 : index
    %get3A_96 = arith.constant 0 : index
    %get3A_97 = vector.load %arg2[%get3A_95, %get3A_96] : memref<1000x1xi32, #tpu.memory_space<vmem>>, vector<1000x1xi32>
    %eq3A_98 = vector.broadcast %get3A_97 : vector<1000x1xi32> to vector<1000x100xi32>
    %eq3A_99 = vector.broadcast %iota3A : vector<1x100xi32> to vector<1000x100xi32>
    %eq3A_100 = arith.cmpi eq, %eq3A_98, %eq3A_99 : vector<1000x100xi32>
    %convert_element_type3A_101 = arith.extui %eq3A_100 : vector<1000x100xi1> to vector<1000x100xi32>
    %convert_element_type3A_102 = arith.sitofp %convert_element_type3A_101 : vector<1000x100xi32> to vector<1000x100xf32>
    %get3A_103 = arith.constant 0 : index
    %get3A_104 = arith.constant 0 : index
    %get3A_105 = vector.load %arg6[%get3A_103, %get3A_104] : memref<100x64xf32, #tpu.memory_space<vmem>>, vector<100x64xf32>
    %dot_general3A_106 = arith.constant dense<0.000000e+00> : vector<1000x64xf32>
    %dot_general3A_107 = tpu.matmul %convert_element_type3A_102, %get3A_105, %dot_general3A_106 {dimension_numbers = #tpu.dot_dimension_numbers<[1], [0], [0], [1], [0, 0, 1, 1], [], []>, transpose_lhs_hint = false} : vector<1000x100xf32>, vector<100x64xf32>, vector<1000x64xf32> -> vector<1000x64xf32>
    %broadcast_in_dim3A = arith.constant 0.282094777 : f32
    %broadcast_in_dim3A_108 = vector.broadcast %broadcast_in_dim3A : f32 to vector<1000x1xf32>
    %mul3A_109 = arith.constant 0.488602519 : f32
    %mul3A_110 = vector.broadcast %mul3A_109 : f32 to vector<1000x1xf32>
    %mul3A_111 = arith.mulf %mul3A_110, %mul3A_13 : vector<1000x1xf32>
    %mul3A_112 = arith.constant 0.488602519 : f32
    %mul3A_113 = vector.broadcast %mul3A_112 : f32 to vector<1000x1xf32>
    %mul3A_114 = arith.mulf %mul3A_113, %mul3A_14 : vector<1000x1xf32>
    %mul3A_115 = arith.constant 0.488602519 : f32
    %mul3A_116 = vector.broadcast %mul3A_115 : f32 to vector<1000x1xf32>
    %mul3A_117 = arith.mulf %mul3A_116, %mul3A_12 : vector<1000x1xf32>
    %mul3A_118 = arith.constant 1.09254849 : f32
    %mul3A_119 = vector.broadcast %mul3A_118 : f32 to vector<1000x1xf32>
    %mul3A_120 = arith.mulf %mul3A_119, %mul3A_12 : vector<1000x1xf32>
    %mul3A_121 = arith.mulf %mul3A_120, %mul3A_13 : vector<1000x1xf32>
    %mul3A_122 = arith.constant 1.09254849 : f32
    %mul3A_123 = vector.broadcast %mul3A_122 : f32 to vector<1000x1xf32>
    %mul3A_124 = arith.mulf %mul3A_123, %mul3A_13 : vector<1000x1xf32>
    %mul3A_125 = arith.mulf %mul3A_124, %mul3A_14 : vector<1000x1xf32>
    %mul3A_126 = arith.constant 3.000000e+00 : f32
    %mul3A_127 = vector.broadcast %mul3A_126 : f32 to vector<1000x1xf32>
    %mul3A_128 = arith.mulf %mul3A_127, %mul3A_14 : vector<1000x1xf32>
    %mul3A_129 = arith.mulf %mul3A_128, %mul3A_14 : vector<1000x1xf32>
    %sub3A_130 = arith.constant 1.000000e+00 : f32
    %sub3A_131 = vector.broadcast %sub3A_130 : f32 to vector<1000x1xf32>
    %sub3A_132 = arith.subf %mul3A_129, %sub3A_131 : vector<1000x1xf32>
    %mul3A_133 = arith.constant 0.31539157 : f32
    %mul3A_134 = vector.broadcast %mul3A_133 : f32 to vector<1000x1xf32>
    %mul3A_135 = arith.mulf %mul3A_134, %sub3A_132 : vector<1000x1xf32>
    %mul3A_136 = arith.constant 1.09254849 : f32
    %mul3A_137 = vector.broadcast %mul3A_136 : f32 to vector<1000x1xf32>
    %mul3A_138 = arith.mulf %mul3A_137, %mul3A_12 : vector<1000x1xf32>
    %mul3A_139 = arith.mulf %mul3A_138, %mul3A_14 : vector<1000x1xf32>
    %mul3A_140 = arith.mulf %mul3A_12, %mul3A_12 : vector<1000x1xf32>
    %mul3A_141 = arith.mulf %mul3A_13, %mul3A_13 : vector<1000x1xf32>
    %sub3A_142 = arith.subf %mul3A_140, %mul3A_141 : vector<1000x1xf32>
    %mul3A_143 = arith.constant 0.546274245 : f32
    %mul3A_144 = vector.broadcast %mul3A_143 : f32 to vector<1000x1xf32>
    %mul3A_145 = arith.mulf %mul3A_144, %sub3A_142 : vector<1000x1xf32>
    %mul3A_146 = vector.broadcast %broadcast_in_dim3A_108 : vector<1000x1xf32> to vector<1000x64xf32>
    %mul3A_147 = arith.mulf %mul3A_146, %add3A_94 : vector<1000x64xf32>
    %mul3A_148 = vector.broadcast %mul3A_111 : vector<1000x1xf32> to vector<1000x64xf32>
    %mul3A_149 = arith.mulf %mul3A_148, %add3A_94 : vector<1000x64xf32>
    %mul3A_150 = vector.broadcast %mul3A_114 : vector<1000x1xf32> to vector<1000x64xf32>
    %mul3A_151 = arith.mulf %mul3A_150, %add3A_94 : vector<1000x64xf32>
    %mul3A_152 = vector.broadcast %mul3A_117 : vector<1000x1xf32> to vector<1000x64xf32>
    %mul3A_153 = arith.mulf %mul3A_152, %add3A_94 : vector<1000x64xf32>
    %mul3A_154 = vector.broadcast %mul3A_121 : vector<1000x1xf32> to vector<1000x64xf32>
    %mul3A_155 = arith.mulf %mul3A_154, %add3A_94 : vector<1000x64xf32>
    %mul3A_156 = vector.broadcast %mul3A_125 : vector<1000x1xf32> to vector<1000x64xf32>
    %mul3A_157 = arith.mulf %mul3A_156, %add3A_94 : vector<1000x64xf32>
    %mul3A_158 = vector.broadcast %mul3A_135 : vector<1000x1xf32> to vector<1000x64xf32>
    %mul3A_159 = arith.mulf %mul3A_158, %add3A_94 : vector<1000x64xf32>
    %mul3A_160 = vector.broadcast %mul3A_139 : vector<1000x1xf32> to vector<1000x64xf32>
    %mul3A_161 = arith.mulf %mul3A_160, %add3A_94 : vector<1000x64xf32>
    %mul3A_162 = vector.broadcast %mul3A_145 : vector<1000x1xf32> to vector<1000x64xf32>
    %mul3A_163 = arith.mulf %mul3A_162, %add3A_94 : vector<1000x64xf32>
    %concatenate3A = tpu.concatenate %mul3A_147, %mul3A_149, %mul3A_151, %mul3A_153, %mul3A_155, %mul3A_157, %mul3A_159, %mul3A_161, %mul3A_163 in 0 : vector<1000x64xf32>, vector<1000x64xf32>, vector<1000x64xf32>, vector<1000x64xf32>, vector<1000x64xf32>, vector<1000x64xf32>, vector<1000x64xf32>, vector<1000x64xf32>, vector<1000x64xf32> -> vector<9000x64xf32>
    %get3A_164 = arith.constant 0 : index
    %get3A_165 = arith.constant 0 : index
    %get3A_166 = vector.load %arg7[%get3A_164, %get3A_165] : memref<64x64xf32, #tpu.memory_space<vmem>>, vector<64x64xf32>
    %dot_general3A_167 = arith.constant dense<0.000000e+00> : vector<9000x64xf32>
    %dot_general3A_168 = tpu.matmul %concatenate3A, %get3A_166, %dot_general3A_167 {dimension_numbers = #tpu.dot_dimension_numbers<[1], [0], [0], [1], [0, 0, 1, 1], [], []>, transpose_lhs_hint = false} : vector<9000x64xf32>, vector<64x64xf32>, vector<9000x64xf32> -> vector<9000x64xf32>
    %slice3A_169 = vector.extract_strided_slice %dot_general3A_168 {offsets = [0, 0], sizes = [1000, 64], strides = [1, 1]} : vector<9000x64xf32> to vector<1000x64xf32>
    %logistic3A = arith.negf %slice3A_169 : vector<1000x64xf32>
    %logistic3A_170 = math.exp %logistic3A : vector<1000x64xf32>
    %logistic3A_171 = arith.constant 1.000000e+00 : f32
    %logistic3A_172 = vector.broadcast %logistic3A_171 : f32 to vector<1000x64xf32>
    %logistic3A_173 = arith.addf %logistic3A_172, %logistic3A_170 : vector<1000x64xf32>
    %logistic3A_174 = arith.divf %logistic3A_172, %logistic3A_173 : vector<1000x64xf32>
    %mul3A_175 = arith.mulf %slice3A_169, %logistic3A_174 : vector<1000x64xf32>
    %concatenate3A_176 = tpu.concatenate %mul3A_175, %mul3A_175, %mul3A_175, %mul3A_175, %mul3A_175, %mul3A_175, %mul3A_175, %mul3A_175, %mul3A_175 in 0 : vector<1000x64xf32>, vector<1000x64xf32>, vector<1000x64xf32>, vector<1000x64xf32>, vector<1000x64xf32>, vector<1000x64xf32>, vector<1000x64xf32>, vector<1000x64xf32>, vector<1000x64xf32> -> vector<9000x64xf32>
    %mul3A_177 = arith.mulf %dot_general3A_168, %concatenate3A_176 : vector<9000x64xf32>
    %get3A_178 = arith.constant 0 : index
    %get3A_179 = arith.constant 0 : index
    %get3A_180 = vector.load %arg8[%get3A_178, %get3A_179] : memref<64x64xf32, #tpu.memory_space<vmem>>, vector<64x64xf32>
    %dot_general3A_181 = arith.constant dense<0.000000e+00> : vector<9000x64xf32>
    %dot_general3A_182 = tpu.matmul %mul3A_177, %get3A_180, %dot_general3A_181 {dimension_numbers = #tpu.dot_dimension_numbers<[1], [0], [0], [1], [0, 0, 1, 1], [], []>, transpose_lhs_hint = false} : vector<9000x64xf32>, vector<64x64xf32>, vector<9000x64xf32> -> vector<9000x64xf32>
    %get3A_183 = arith.constant 0 : index
    %get3A_184 = arith.constant 0 : index
    %get3A_185 = vector.load %arg9[%get3A_183, %get3A_184] : memref<64x64xf32, #tpu.memory_space<vmem>>, vector<64x64xf32>
    %dot_general3A_186 = arith.constant dense<0.000000e+00> : vector<9000x64xf32>
    %dot_general3A_187 = tpu.matmul %dot_general3A_182, %get3A_185, %dot_general3A_186 {dimension_numbers = #tpu.dot_dimension_numbers<[1], [0], [0], [1], [0, 0, 1, 1], [], []>, transpose_lhs_hint = false} : vector<9000x64xf32>, vector<64x64xf32>, vector<9000x64xf32> -> vector<9000x64xf32>
    %slice3A_188 = vector.extract_strided_slice %dot_general3A_187 {offsets = [0, 0], sizes = [1000, 64], strides = [1, 1]} : vector<9000x64xf32> to vector<1000x64xf32>
    %logistic3A_189 = arith.negf %slice3A_188 : vector<1000x64xf32>
    %logistic3A_190 = math.exp %logistic3A_189 : vector<1000x64xf32>
    %logistic3A_191 = arith.constant 1.000000e+00 : f32
    %logistic3A_192 = vector.broadcast %logistic3A_191 : f32 to vector<1000x64xf32>
    %logistic3A_193 = arith.addf %logistic3A_192, %logistic3A_190 : vector<1000x64xf32>
    %logistic3A_194 = arith.divf %logistic3A_192, %logistic3A_193 : vector<1000x64xf32>
    %mul3A_195 = arith.mulf %slice3A_188, %logistic3A_194 : vector<1000x64xf32>
    %concatenate3A_196 = tpu.concatenate %mul3A_195, %mul3A_195, %mul3A_195, %mul3A_195, %mul3A_195, %mul3A_195, %mul3A_195, %mul3A_195, %mul3A_195 in 0 : vector<1000x64xf32>, vector<1000x64xf32>, vector<1000x64xf32>, vector<1000x64xf32>, vector<1000x64xf32>, vector<1000x64xf32>, vector<1000x64xf32>, vector<1000x64xf32>, vector<1000x64xf32> -> vector<9000x64xf32>
    %mul3A_197 = arith.mulf %dot_general3A_187, %concatenate3A_196 : vector<9000x64xf32>
    %get3A_198 = arith.constant 0 : index
    %get3A_199 = arith.constant 0 : index
    %get3A_200 = vector.load %arg10[%get3A_198, %get3A_199] : memref<64x64xf32, #tpu.memory_space<vmem>>, vector<64x64xf32>
    %dot_general3A_201 = arith.constant dense<0.000000e+00> : vector<9000x64xf32>
    %dot_general3A_202 = tpu.matmul %mul3A_197, %get3A_200, %dot_general3A_201 {dimension_numbers = #tpu.dot_dimension_numbers<[1], [0], [0], [1], [0, 0, 1, 1], [], []>, transpose_lhs_hint = false} : vector<9000x64xf32>, vector<64x64xf32>, vector<9000x64xf32> -> vector<9000x64xf32>
    %slice3A_203 = vector.extract_strided_slice %dot_general3A_202 {offsets = [0, 0], sizes = [1000, 64], strides = [1, 1]} : vector<9000x64xf32> to vector<1000x64xf32>
    %mul3A_204 = arith.mulf %slice3A_203, %dot_general3A_107 : vector<1000x64xf32>
    %swap3A = arith.constant 0 : index
    %swap3A_205 = arith.constant 0 : index
    %swap3A_206 = arith.constant 0 : index
    %swap3A_207 = vector.load %arg11[%swap3A, %swap3A_205, %swap3A_206] : memref<5x1000x128xf32, #tpu.memory_space<vmem>>, vector<1x1000x64xf32>
    %swap3A_208 = vector.shape_cast %swap3A_207 : vector<1x1000x64xf32> to vector<1000x64xf32>
    %swap3A_209 = vector.shape_cast %mul3A_204 : vector<1000x64xf32> to vector<1x1000x64xf32>
    tpu.vector_store %arg11[%swap3A, %swap3A_205, %swap3A_206], %swap3A_209 {strides = array<i32>} : memref<5x1000x128xf32, #tpu.memory_space<vmem>>, vector<1x1000x64xf32>,
    %slice3A_210 = vector.extract_strided_slice %dot_general3A_202 {offsets = [1000, 0], sizes = [1000, 64], strides = [1, 1]} : vector<9000x64xf32> to vector<1000x64xf32>
    %mul3A_211 = arith.mulf %slice3A_210, %dot_general3A_107 : vector<1000x64xf32>
    %swap3A_212 = arith.constant 0 : index
    %swap3A_213 = arith.constant 0 : index
    %swap3A_214 = arith.constant 64 : index
    %swap3A_215 = vector.load %arg11[%swap3A_212, %swap3A_213, %swap3A_214] : memref<5x1000x128xf32, #tpu.memory_space<vmem>>, vector<1x1000x64xf32>
    %swap3A_216 = vector.shape_cast %swap3A_215 : vector<1x1000x64xf32> to vector<1000x64xf32>
    %swap3A_217 = vector.shape_cast %mul3A_211 : vector<1000x64xf32> to vector<1x1000x64xf32>
    tpu.vector_store %arg11[%swap3A_212, %swap3A_213, %swap3A_214], %swap3A_217 {strides = array<i32>} : memref<5x1000x128xf32, #tpu.memory_space<vmem>>, vector<1x1000x64xf32>,
    %slice3A_218 = vector.extract_strided_slice %dot_general3A_202 {offsets = [2000, 0], sizes = [1000, 64], strides = [1, 1]} : vector<9000x64xf32> to vector<1000x64xf32>
    %mul3A_219 = arith.mulf %slice3A_218, %dot_general3A_107 : vector<1000x64xf32>
    %swap3A_220 = arith.constant 1 : index
    %swap3A_221 = arith.constant 0 : index
    %swap3A_222 = arith.constant 0 : index
    %swap3A_223 = vector.load %arg11[%swap3A_220, %swap3A_221, %swap3A_222] : memref<5x1000x128xf32, #tpu.memory_space<vmem>>, vector<1x1000x64xf32>
    %swap3A_224 = vector.shape_cast %swap3A_223 : vector<1x1000x64xf32> to vector<1000x64xf32>
    %swap3A_225 = vector.shape_cast %mul3A_219 : vector<1000x64xf32> to vector<1x1000x64xf32>
    tpu.vector_store %arg11[%swap3A_220, %swap3A_221, %swap3A_222], %swap3A_225 {strides = array<i32>} : memref<5x1000x128xf32, #tpu.memory_space<vmem>>, vector<1x1000x64xf32>,
    %slice3A_226 = vector.extract_strided_slice %dot_general3A_202 {offsets = [3000, 0], sizes = [1000, 64], strides = [1, 1]} : vector<9000x64xf32> to vector<1000x64xf32>
    %mul3A_227 = arith.mulf %slice3A_226, %dot_general3A_107 : vector<1000x64xf32>
    %swap3A_228 = arith.constant 1 : index
    %swap3A_229 = arith.constant 0 : index
    %swap3A_230 = arith.constant 64 : index
    %swap3A_231 = vector.load %arg11[%swap3A_228, %swap3A_229, %swap3A_230] : memref<5x1000x128xf32, #tpu.memory_space<vmem>>, vector<1x1000x64xf32>
    %swap3A_232 = vector.shape_cast %swap3A_231 : vector<1x1000x64xf32> to vector<1000x64xf32>
    %swap3A_233 = vector.shape_cast %mul3A_227 : vector<1000x64xf32> to vector<1x1000x64xf32>
    tpu.vector_store %arg11[%swap3A_228, %swap3A_229, %swap3A_230], %swap3A_233 {strides = array<i32>} : memref<5x1000x128xf32, #tpu.memory_space<vmem>>, vector<1x1000x64xf32>,
    %slice3A_234 = vector.extract_strided_slice %dot_general3A_202 {offsets = [4000, 0], sizes = [1000, 64], strides = [1, 1]} : vector<9000x64xf32> to vector<1000x64xf32>
    %mul3A_235 = arith.mulf %slice3A_234, %dot_general3A_107 : vector<1000x64xf32>
    %swap3A_236 = arith.constant 2 : index
    %swap3A_237 = arith.constant 0 : index
    %swap3A_238 = arith.constant 0 : index
    %swap3A_239 = vector.load %arg11[%swap3A_236, %swap3A_237, %swap3A_238] : memref<5x1000x128xf32, #tpu.memory_space<vmem>>, vector<1x1000x64xf32>
    %swap3A_240 = vector.shape_cast %swap3A_239 : vector<1x1000x64xf32> to vector<1000x64xf32>
    %swap3A_241 = vector.shape_cast %mul3A_235 : vector<1000x64xf32> to vector<1x1000x64xf32>
    tpu.vector_store %arg11[%swap3A_236, %swap3A_237, %swap3A_238], %swap3A_241 {strides = array<i32>} : memref<5x1000x128xf32, #tpu.memory_space<vmem>>, vector<1x1000x64xf32>,
    %slice3A_242 = vector.extract_strided_slice %dot_general3A_202 {offsets = [5000, 0], sizes = [1000, 64], strides = [1, 1]} : vector<9000x64xf32> to vector<1000x64xf32>
    %mul3A_243 = arith.mulf %slice3A_242, %dot_general3A_107 : vector<1000x64xf32>
    %swap3A_244 = arith.constant 2 : index
    %swap3A_245 = arith.constant 0 : index
    %swap3A_246 = arith.constant 64 : index
    %swap3A_247 = vector.load %arg11[%swap3A_244, %swap3A_245, %swap3A_246] : memref<5x1000x128xf32, #tpu.memory_space<vmem>>, vector<1x1000x64xf32>
    %swap3A_248 = vector.shape_cast %swap3A_247 : vector<1x1000x64xf32> to vector<1000x64xf32>
    %swap3A_249 = vector.shape_cast %mul3A_243 : vector<1000x64xf32> to vector<1x1000x64xf32>
    tpu.vector_store %arg11[%swap3A_244, %swap3A_245, %swap3A_246], %swap3A_249 {strides = array<i32>} : memref<5x1000x128xf32, #tpu.memory_space<vmem>>, vector<1x1000x64xf32>,
    %slice3A_250 = vector.extract_strided_slice %dot_general3A_202 {offsets = [6000, 0], sizes = [1000, 64], strides = [1, 1]} : vector<9000x64xf32> to vector<1000x64xf32>
    %mul3A_251 = arith.mulf %slice3A_250, %dot_general3A_107 : vector<1000x64xf32>
    %swap3A_252 = arith.constant 3 : index
    %swap3A_253 = arith.constant 0 : index
    %swap3A_254 = arith.constant 0 : index
    %swap3A_255 = vector.load %arg11[%swap3A_252, %swap3A_253, %swap3A_254] : memref<5x1000x128xf32, #tpu.memory_space<vmem>>, vector<1x1000x64xf32>
    %swap3A_256 = vector.shape_cast %swap3A_255 : vector<1x1000x64xf32> to vector<1000x64xf32>
    %swap3A_257 = vector.shape_cast %mul3A_251 : vector<1000x64xf32> to vector<1x1000x64xf32>
    tpu.vector_store %arg11[%swap3A_252, %swap3A_253, %swap3A_254], %swap3A_257 {strides = array<i32>} : memref<5x1000x128xf32, #tpu.memory_space<vmem>>, vector<1x1000x64xf32>,
    %slice3A_258 = vector.extract_strided_slice %dot_general3A_202 {offsets = [7000, 0], sizes = [1000, 64], strides = [1, 1]} : vector<9000x64xf32> to vector<1000x64xf32>
    %mul3A_259 = arith.mulf %slice3A_258, %dot_general3A_107 : vector<1000x64xf32>
    %swap3A_260 = arith.constant 3 : index
    %swap3A_261 = arith.constant 0 : index
    %swap3A_262 = arith.constant 64 : index
    %swap3A_263 = vector.load %arg11[%swap3A_260, %swap3A_261, %swap3A_262] : memref<5x1000x128xf32, #tpu.memory_space<vmem>>, vector<1x1000x64xf32>
    %swap3A_264 = vector.shape_cast %swap3A_263 : vector<1x1000x64xf32> to vector<1000x64xf32>
    %swap3A_265 = vector.shape_cast %mul3A_259 : vector<1000x64xf32> to vector<1x1000x64xf32>
    tpu.vector_store %arg11[%swap3A_260, %swap3A_261, %swap3A_262], %swap3A_265 {strides = array<i32>} : memref<5x1000x128xf32, #tpu.memory_space<vmem>>, vector<1x1000x64xf32>,
    %slice3A_266 = vector.extract_strided_slice %dot_general3A_202 {offsets = [8000, 0], sizes = [1000, 64], strides = [1, 1]} : vector<9000x64xf32> to vector<1000x64xf32>
    %mul3A_267 = arith.mulf %slice3A_266, %dot_general3A_107 : vector<1000x64xf32>
    %swap3A_268 = arith.constant 4 : index
    %swap3A_269 = arith.constant 0 : index
    %swap3A_270 = arith.constant 0 : index
    %swap3A_271 = vector.load %arg11[%swap3A_268, %swap3A_269, %swap3A_270] : memref<5x1000x128xf32, #tpu.memory_space<vmem>>, vector<1x1000x64xf32>
    %swap3A_272 = vector.shape_cast %swap3A_271 : vector<1x1000x64xf32> to vector<1000x64xf32>
    %swap3A_273 = vector.shape_cast %mul3A_267 : vector<1000x64xf32> to vector<1x1000x64xf32>
    tpu.vector_store %arg11[%swap3A_268, %swap3A_269, %swap3A_270], %swap3A_273 {strides = array<i32>} : memref<5x1000x128xf32, #tpu.memory_space<vmem>>, vector<1x1000x64xf32>,
    %broadcast_in_dim3A_274 = arith.constant 0.000000e+00 : f32
    %broadcast_in_dim3A_275 = vector.broadcast %broadcast_in_dim3A_274 : f32 to vector<1000x64xf32>
    %swap3A_276 = arith.constant 4 : index
    %swap3A_277 = arith.constant 0 : index
    %swap3A_278 = arith.constant 64 : index
    %swap3A_279 = vector.load %arg11[%swap3A_276, %swap3A_277, %swap3A_278] : memref<5x1000x128xf32, #tpu.memory_space<vmem>>, vector<1x1000x64xf32>
    %swap3A_280 = vector.shape_cast %swap3A_279 : vector<1x1000x64xf32> to vector<1000x64xf32>
    %swap3A_281 = vector.shape_cast %broadcast_in_dim3A_275 : vector<1000x64xf32> to vector<1x1000x64xf32>
    tpu.vector_store %arg11[%swap3A_276, %swap3A_277, %swap3A_278], %swap3A_281 {strides = array<i32>} : memref<5x1000x128xf32, #tpu.memory_space<vmem>>, vector<1x1000x64xf32>,
    %eq3A_282 = arith.constant 159 : i32
    %eq3A_283 = arith.cmpi eq, %arg0, %eq3A_282 : i32
    %convert_element_type3A_284 = arith.extui %eq3A_283 : i1 to i32
    %cond3A = arith.constant 0 : i32
    %cond3A_285 = arith.cmpi ne, %convert_element_type3A_284, %cond3A : i32
    scf.if %cond3A_285 {
      %get3A_286 = arith.constant 0 : index
      %get3A_287 = arith.constant 0 : index
      %get3A_288 = vector.load %arg4[%get3A_286, %get3A_287] : memref<10240x1xi32, #tpu.memory_space<vmem>>, vector<10240x1xi32>
      %eq3A_289 = vector.broadcast %get3A_288 : vector<10240x1xi32> to vector<10240x100xi32>
      %eq3A_290 = vector.broadcast %iota3A : vector<1x100xi32> to vector<10240x100xi32>
      %eq3A_291 = arith.cmpi eq, %eq3A_289, %eq3A_290 : vector<10240x100xi32>
      %convert_element_type3A_292 = arith.extui %eq3A_291 : vector<10240x100xi1> to vector<10240x100xi32>
      %convert_element_type3A_293 = arith.sitofp %convert_element_type3A_292 : vector<10240x100xi32> to vector<10240x100xf32>
      %get3A_294 = arith.constant 0 : index
      %get3A_295 = arith.constant 0 : index
      %get3A_296 = vector.load %arg6[%get3A_294, %get3A_295] : memref<100x64xf32, #tpu.memory_space<vmem>>, vector<100x64xf32>
      %dot_general3A_297 = arith.constant dense<0.000000e+00> : vector<10240x64xf32>
      %dot_general3A_298 = tpu.matmul %convert_element_type3A_293, %get3A_296, %dot_general3A_297 {dimension_numbers = #tpu.dot_dimension_numbers<[1], [0], [0], [1], [0, 0, 1, 1], [], []>, transpose_lhs_hint = false} : vector<10240x100xf32>, vector<100x64xf32>, vector<10240x64xf32> -> vector<10240x64xf32>
      %broadcast_in_dim3A_299 = arith.constant 0.000000e+00 : f32
      %broadcast_in_dim3A_300 = vector.broadcast %broadcast_in_dim3A_299 : f32 to vector<10240x64xf32>
      %concatenate3A_301 = tpu.concatenate %dot_general3A_298, %broadcast_in_dim3A_300 in 1 : vector<10240x64xf32>, vector<10240x64xf32> -> vector<10240x128xf32>
      %swap3A_302 = arith.constant 0 : index
      %swap3A_303 = arith.constant 0 : index
      %swap3A_304 = vector.load %arg12[%swap3A_302, %swap3A_303] : memref<10240x128xf32, #tpu.memory_space<vmem>>, vector<10240x128xf32>
      tpu.vector_store %arg12[%swap3A_302, %swap3A_303], %concatenate3A_301 {strides = array<i32>} : memref<10240x128xf32, #tpu.memory_space<vmem>>, vector<10240x128xf32>,
    } else {
    }
    return
  }
  func.func @transform_0(%arg0: i32) -> (i32, i32) {
    %c0_i32 = arith.constant 0 : i32
    %c0_i32_0 = arith.constant 0 : i32
    return %arg0, %c0_i32 : i32, i32
  }
  func.func @transform_1(%arg0: i32) -> (i32, i32) {
    %c0_i32 = arith.constant 0 : i32
    %c0_i32_0 = arith.constant 0 : i32
    return %arg0, %c0_i32 : i32, i32
  }
  func.func @transform_2(%arg0: i32) -> (i32, i32) {
    %c0_i32 = arith.constant 0 : i32
    %c0_i32_0 = arith.constant 0 : i32
    return %arg0, %c0_i32 : i32, i32
  }
  func.func @transform_3(%arg0: i32) -> (i32, i32) {
    %c0_i32 = arith.constant 0 : i32
    %c0_i32_0 = arith.constant 0 : i32
    %c0_i32_1 = arith.constant 0 : i32
    return %c0_i32, %c0_i32_0 : i32, i32
  }
  func.func @transform_4(%arg0: i32) -> (i32, i32) {
    %c0_i32 = arith.constant 0 : i32
    %c0_i32_0 = arith.constant 0 : i32
    %c0_i32_1 = arith.constant 0 : i32
    return %c0_i32, %c0_i32_0 : i32, i32
  }
  func.func @transform_5(%arg0: i32) -> (i32, i32) {
    %c0_i32 = arith.constant 0 : i32
    %c0_i32_0 = arith.constant 0 : i32
    %c0_i32_1 = arith.constant 0 : i32
    return %c0_i32, %c0_i32_0 : i32, i32
  }
  func.func @transform_6(%arg0: i32) -> (i32, i32) {
    %c0_i32 = arith.constant 0 : i32
    %c0_i32_0 = arith.constant 0 : i32
    %c0_i32_1 = arith.constant 0 : i32
    return %c0_i32, %c0_i32_0 : i32, i32
  }
  func.func @transform_7(%arg0: i32) -> (i32, i32) {
    %c0_i32 = arith.constant 0 : i32
    %c0_i32_0 = arith.constant 0 : i32
    %c0_i32_1 = arith.constant 0 : i32
    return %c0_i32, %c0_i32_0 : i32, i32
  }
  func.func @transform_8(%arg0: i32) -> (i32, i32) {
    %c0_i32 = arith.constant 0 : i32
    %c0_i32_0 = arith.constant 0 : i32
    %c0_i32_1 = arith.constant 0 : i32
    return %c0_i32, %c0_i32_0 : i32, i32
  }
  func.func @transform_9(%arg0: i32) -> (i32, i32) {
    %c0_i32 = arith.constant 0 : i32
    %c0_i32_0 = arith.constant 0 : i32
    %c0_i32_1 = arith.constant 0 : i32
    return %c0_i32, %c0_i32_0 : i32, i32
  }
  func.func @transform_10(%arg0: i32) -> (i32, i32, i32) {
    %c0_i32 = arith.constant 0 : i32
    %c0_i32_0 = arith.constant 0 : i32
    %c0_i32_1 = arith.constant 0 : i32
    return %c0_i32, %arg0, %c0_i32_0 : i32, i32, i32
  }
  func.func @transform_11(%arg0: i32) -> (i32, i32) {
    %c0_i32 = arith.constant 0 : i32
    %c0_i32_0 = arith.constant 0 : i32
    %c0_i32_1 = arith.constant 0 : i32
    return %c0_i32, %c0_i32_0 : i32, i32
  }
}

</mosaic_0001>

<sc_bundles>
// kernel: kernel.4.cloned.1.call-start
scs
__scs_entry_jumppad:
0x0: {  	(pc) =	sbr.rel $0x88, $3  }
0x1: {  	(tag) =	ssettag $0x0;
	lr =	simm.s32 $0x1  }
0x2: {  	[smem:$0x3F96] =	sst lr;
	_ =	strace $0xD0000000  }
0x3: {  	_ = 	snop  }
0x4: {  	_ = 	snop  }
0x5: {  	_ = 	snop  }
0x6: {  	_ = 	snop  }
0x7: {  	_ = 	snop  }
__scs_overlays_trampoline_lowered:
0x8: {  	[smem:$0x3FA5] =	sst s0  }
0x9: {  	[smem:$0x3FA6] =	sst s1  }
0xa: {  	[smem:$0x3FA7] =	sst s2  }
0xb: {  	[smem:$0x3FA8] =	sst s3  }
0xc: {  	[smem:$0x3FA9] =	sst s4  }
0xd: {  	[smem:$0x3FAA] =	sst s5  }
0xe: {  	[smem:$0x3FAB] =	sst s6  }
0xf: {  	[smem:$0x3FAC] =	sst s7  }
0x10: {  	[smem:$0x3FAD] =	sst s8  }
0x11: {  	[smem:$0x3FAE] =	sst s9;
	s0 =	simm.s32 @!p0 $0x0  }
0x12: {  	s1 =	sld [smem:$0x3F94];
	s0 =	simm.s32 @p0 $0x1  }
0x13: {  	[smem:$0x3FAF] =	sst s0;
	s0 =	simm.s32 @!p1 $0x0  }
0x14: {  	s2 =	sld [smem:$0x3F93];
	s0 =	simm.s32 @p1 $0x1  }
0x15: {  	[smem:$0x3FB0] =	sst s0;
	s0 =	simm.s32 @!p2 $0x0  }
0x16: {  	s3 =	sld [smem:$0x3FDB];
	s0 =	simm.s32 @p2 $0x1  }
0x17: {  	s4 =	simm.s32 $0x1BF5;
	[smem:$0x3FB2] =	sst s0  }
0x18: {  	s0 =	sld [smem:$0x3F95];
	_ =	swait.ge [sflag:s4], $0x0  }
0x19: {  	s7 =	sld [smem:$0x3F96]  }
0x1a: {  	s8 =	sadd.s32 $0xFFFFE003, lr  }
0x1b: {  	s9 =	sadd.s32 $0xFFFFFEF7, lr;
	s5 =	simm.s32 $0xFFFFFFFF;
	p2 =	slt.u32 s8, $0xFFFFF086  }
0x1c: {  	p1 =	slt.u32 s9, $0xF7A;
	s5 =	simm.s32 @!p2 $0x0  }
0x1d: {  	s5 =	simm.s32 @p1 $0x1;
	p0 =	seq.s32 s7, s2  }
0x1e: {  	s7 =	smul.u32 @!p0 $0xF7A, s2;
	p2 =	seq.s32 @!p0 s5, $0x0  }
0x1f: {  	s9 =	smul.u32 $0xF7A, s1;
	s8 =	simm.s32 @!p0 $0x1BF5;
	p2 =	por !p2, p0  }
0x20: {  	[sflag:s8] =	ssyncset.s32 @!p0 $0xFFFFF086;
	s6 =	sadd.s32 @!p0 s3, s7;
	s7 =	simm.s32 @!p0 $0x108  }
0x21: {  	s3 =	sadd.s32 s3, s9;
	s6 =	sadd.s32 @!p0 $0x88, s6;
	s7 =	simm.s32 @p2 $0x1082  }
0x22: {  	[simem:s7], [sflag:s8] =	dma.local @!p0 [hbm:s6], $0xF7A  }
0x23: {  	s9 =	sor.u32 $0xD0000000, s2;
	s6 =	simm.s32 $0x108;
	_ =	swait.ge @!p0 [sflag:s8], $0x0  }
0x24: {  	s3 =	sadd.s32 $0x88, s3;
	s6 =	simm.s32 @!p1 $0x1082;
	[sflag:s4] =	ssyncset.s32 $0xFFFFF086  }
0x25: {  	[simem:s6], [sflag:s4] =	dma.local [hbm:s3], $0xF7A  }
0x26: {  	[smem:$0x3F96] =	sst s1;
	(tag) =	ssettag s2;
	_ =	strace s9  }
0x27: {  	s1 =	sld [smem:$0x3FA6]  }
0x28: {  	s2 =	sld [smem:$0x3FA7]  }
0x29: {  	s4 =	sld [smem:$0x3FA9]  }
0x2a: {  	p0 =	seq.s32 s5, $0x0;
	s5 =	sld [smem:$0x3FAA]  }
0x2b: {  	s6 =	sld [smem:$0x3FAB]  }
0x2c: {  	s7 =	sld [smem:$0x3FAC]  }
0x2d: {  	s3 =	simm.s32 $0x108;
	s8 =	sld [smem:$0x3FAD]  }
0x2e: {  	s3 =	simm.s32 @!p0 $0x1082;
	s9 =	sld [smem:$0x3FAE]  }
0x2f: {  	lr =	sadd.s32 s0, s3;
	s0 =	sld [smem:$0x3FA5]  }
0x30: {  	s3 =	sld [smem:$0x3FA8]  }
0x31: {  	[smem:$0x3FB1] =	sst s10  }
0x32: {  	s10 =	sld [smem:$0x3FAF];
	_ =	sdelay $0x3  }
0x33: {  	p0 =	seq.s32 s10, $0x1;
	s10 =	sld [smem:$0x3FB1];
	_ =	sdelay $0x3  }
0x34: {  	[smem:$0x3FB1] =	sst s10  }
0x35: {  	s10 =	sld [smem:$0x3FB0];
	_ =	sdelay $0x3  }
0x36: {  	p1 =	seq.s32 s10, $0x1;
	s10 =	sld [smem:$0x3FB1];
	_ =	sdelay $0x3  }
0x37: {  	[smem:$0x3FB1] =	sst s10  }
0x38: {  	s10 =	sld [smem:$0x3FB2]  }
0x39: {  	_ = 	snop;
	(pc) =	sbr.ind lr, $3  }
0x3a: {  	_ = 	snop  }
0x3b: {  	_ = 	snop  }
0x3c: {  	p2 =	seq.s32 s10, $0x1;
	s10 =	sld [smem:$0x3FB1]  }
0x3d: {  	_ =	shalt  }
0x3e: {  	_ =	shalt  }
0x3f: {  	_ =	shalt  }
0x40: {  	_ =	shalt  }
0x41: {  	_ =	shalt  }
0x42: {  	_ =	shalt  }
0x43: {  	_ =	shalt  }
0x44: {  	_ =	shalt  }
0x45: {  	_ =	shalt  }
0x46: {  	_ =	shalt  }
0x47: {  	_ =	shalt  }
0x48: {  	_ =	shalt  }
0x49: {  	_ =	shalt  }
0x4a: {  	_ =	shalt  }
0x4b: {  	_ =	shalt  }
0x4c: {  	_ =	shalt  }
0x4d: {  	_ =	shalt  }
0x4e: {  	_ =	shalt  }
0x4f: {  	_ =	shalt  }
0x50: {  	_ =	shalt  }
0x51: {  	_ =	shalt  }
0x52: {  	_ =	shalt  }
0x53: {  	_ =	shalt  }
0x54: {  	_ =	shalt  }
0x55: {  	_ =	shalt  }
0x56: {  	_ =	shalt  }
0x57: {  	_ =	shalt  }
0x58: {  	_ =	shalt  }
0x59: {  	_ =	shalt  }
0x5a: {  	_ =	shalt  }
0x5b: {  	_ =	shalt  }
0x5c: {  	_ =	shalt  }
0x5d: {  	_ =	shalt  }
0x5e: {  	_ =	shalt  }
0x5f: {  	_ =	shalt  }
0x60: {  	_ =	shalt  }
0x61: {  	_ =	shalt  }
0x62: {  	_ =	shalt  }
0x63: {  	_ =	shalt  }
0x64: {  	_ =	shalt  }
0x65: {  	_ =	shalt  }
0x66: {  	_ =	shalt  }
0x67: {  	_ =	shalt  }
0x68: {  	_ =	shalt  }
0x69: {  	_ =	shalt  }
0x6a: {  	_ =	shalt  }
0x6b: {  	_ =	shalt  }
0x6c: {  	_ =	shalt  }
0x6d: {  	_ =	shalt  }
0x6e: {  	_ =	shalt  }
0x6f: {  	_ =	shalt  }
0x70: {  	_ =	shalt  }
0x71: {  	_ =	shalt  }
0x72: {  	_ =	shalt  }
0x73: {  	_ =	shalt  }
0x74: {  	_ =	shalt  }
0x75: {  	_ =	shalt  }
0x76: {  	_ =	shalt  }
0x77: {  	_ =	shalt  }
0x78: {  	_ =	shalt  }
0x79: {  	_ =	shalt  }
0x7a: {  	_ =	shalt  }
0x7b: {  	_ =	shalt  }
0x7c: {  	_ =	shalt  }
0x7d: {  	_ =	shalt  }
0x7e: {  	_ =	shalt  }
0x7f: {  	_ =	shalt  }
0x80: {  	_ =	shalt  }
0x81: {  	_ =	shalt  }
0x82: {  	_ =	shalt  }
0x83: {  	_ =	shalt  }
0x84: {  	_ =	shalt  }
0x85: {  	_ =	shalt  }
0x86: {  	_ =	shalt  }
0x87: {  	_ =	shalt  }
.Lfunc_end0:
.L_simem_size_0:
called_computation_lowered:
.L_overlay_start_0:
0x88: {  	s2 =	sld [smem:$0x3FD9]  }
0x89: {  	s3 =	sld [smem:$0x3FFE];
	_ =	sdelay $0x1  }
0x8a: {  	s1 =	srdreg.scid  }
0x8b: {  	s0 =	sand.u32 $0x1, s1  }
0x8c: {  	s17 =	sshll.u32 s0, $0xA;
	s2 =	sadd.s32 s3, s2  }
0x8d: {  	s2 =	sadd.s32 s2, s17  }
0x8e: {  	[smem:$0x3FBD] =	sst s2  }
0x8f: {  	_ = 	snop  }
0x90: {  	s2 =	sld [smem:$0x3FD0];
	(tm) =	ssettm $0x1  }
0x91: {  	s18 =	sld [smem:$0x3FFB];
	_ =	sdelay $0x3  }
0x92: {  	_ =	strace s18  }
0x93: {  	s3 =	sld [smem:$0x3FFC];
	_ =	sdelay $0x3  }
0x94: {  	_ =	strace s3  }
0x95: {  	s3 =	sld [smem:$0x3FFD];
	_ =	sdelay $0x3  }
0x96: {  	_ =	strace s3  }
0x97: {  	_ =	strace $0x8FFFFFFF  }
0x98: {  	s19 =	sld [smem:$0x3FDB];
	_ =	sdelay $0x1  }
0x99: {  	s4 =	simm.s32 $_scs_section_size  }
0x9a: {  	s5 =	simm.s32 $_size__tile_overlayer_lowered;
	s6 =	simm.s32 $_tile_overlayer_lowered  }
0x9b: {  	s22 =	simm.s32 $0x1BFF;
	s21 =	sshll.u32 s6, $0x1;
	s3 =	sadd.s32 s4, s19  }
0x9c: {  	s7 =	simm.s32 $0x0;
	s20 =	sshll.u32 s5, $0x1;
	s5 =	sadd.s32 s21, s3  }
0x9d: {  	[timem:s7], [sflag:s22] =	dma.local [hbm:s5], s20  }
0x9e: {  	_ =	swait.ge [sflag:s22], s20  }
0x9f: {  	s4 =	ssub.s32 $0x0, s20;
	[sflag:s22] =	ssyncset.done $0x0  }
0xa0: {  	[sflag:s22] =	ssyncadd.s32 s4;
	_ =	sdelay $0x1  }
0xa1: {  	s23 =	simm.s32 $0x1B8B  }
0xa2: {  	_ =	swait.ge [sflag:s23], $0x1  }
0xa3: {  	[sflag:s23] =	ssyncset.done $0x0  }
0xa4: {  	s25 =	simm.s32 $0x1B8E;
	s24 =	sld [smem:$0x3FFE];
	[sflag:s23] =	ssyncadd.s32 $0xFFFFFFFF  }
0xa5: {  	s26 =	simm.s32 $execute0_lowered;
	[smem:$0x3FD2] =	sst s25  }
0xa6: {  	s5 =	sshll.u32 s26, $0x1;
	_ =	strace $0x80000046;
	[dreg:$0x1] =	wrdreg $0xFFFFFFFF  }
0xa7: {  	s28 =	simm.s32 $_size_execute0_lowered;
	s3 =	sadd.s32 s3, s5;
	[dreg:$0x0] =	wrdreg $0x0  }
0xa8: {  	s5 =	sshll.u32 s28, $0x1;
	[dreg:$0x2] =	wrdreg s3  }
0xa9: {  	[dreg:$0x3] =	wrdreg s5  }
0xaa: {  	[dreg:$0x4] =	wrdreg $0xC0  }
0xab: {  	_ =	task [dreg:s7], $0x5FFFF  }
0xac: {  	[dreg:$0x1] =	wrdreg $0xFFFFFFFF  }
0xad: {  	[dreg:$0x0] =	wrdreg $0x60  }
0xae: {  	[dreg:$0x2] =	wrdreg s24  }
0xaf: {  	[dreg:$0x3] =	wrdreg s2  }
0xb0: {  	[dreg:$0x4] =	wrdreg $0x48900  }
0xb1: {  	[dreg:$0x5] =	wrdreg $0x9  }
0xb2: {  	_ =	task.clear_ibuf [dreg:s7], $0x6FFFF;
	_ =	strace $0x90000046  }
0xb3: {  	s29 =	simm.s32 $0x9;
	_ =	strace $0x80000048  }
0xb4: {  	_ =	swait.ge [sflag:s29], $0x1  }
0xb5: {  	[sflag:s29] =	ssyncadd.s32 $0xFFFFFFFF  }
0xb6: {  	_ =	strace $0x90000048  }
0xb7: {  	_ =	sfence  }
0xb8: {  	s30 =	sld [smem:$0x0];
	_ =	sdelay $0x2  }
0xb9: {  	s31 =	sshll.u32 s1, $0xD;
	s1 =	sshrl.u32 s1, $0x2  }
0xba: {  	s3 =	sand.u32 $0x4000, s31;
	s1 =	sadd.s32 s1, s30  }
0xbb: {  	s0 =	sor.u32 s3, s0;
	s1 =	sshll.u32 s1, $0x11  }
0xbc: {  	s0 =	sor.u32 s1, s0  }
0xbd: {  	s0 =	sadd.s32 $0x8F2B, s0  }
0xbe: {  	[sflag:s0] =	ssyncadd.remote.s32 $0x1  }
0xbf: {  	_ =	sfence.sel $0xFFFF  }
0xc0: {  	[dreg:$0x0] =	wrdreg $0xFFFFFFFF;
	(pc) =	sbr.abs _section_cstart, $3  }
0xc1: {  	[dreg:$0x1] =	wrdreg $0xFFFFFFFF  }
0xc2: {  	_ =	task.clear_ibuf [dreg:s7], $0x2FFFF;
	_ =	strace $0x9FFFFFFF  }
0xc3: {  	(tm) =	ssettm $0x7FFFFFFF  }
tec
execute0_lowered:
.L_overlay_start_1:
0x0: {  	(tag) =	ssettag $0x1  }
0x1: {  	s0 =	rddreg [dreg:$0x0];
	s3 =	stileid.u32  }
0x2: {  	s7 =	rddreg [dreg:$0x1];
	s29 =	smul.u32 $0x50000, s3  }
0x3: {  	s1 =	rddreg [dreg:$0x2];
	s2 =	simm.s32 $0x0;
	s11 =	smul.u32 $0x14000, s3  }
0x4: {  	s5 =	srdreg.scid;
	s18 =	sadd.s32 $0x75F200, s0;
	s9 =	smul.u32 $0x2710, s3  }
0x5: {  	[smem:$0x7FF] =	sst s2;
	s17 =	sadd.s32 $0x2200, s0;
	s22 =	smul.u32 $0x138800, s3  }
0x6: {  	s4 =	sadd.s32 $0x7200, s0;
	s20 =	sand.u32 $0x1, s5;
	s26 =	smul.u32 $0x4E2, s3  }
0x7: {  	s0 =	sadd.s32 $0x9A00, s0;
	_ =	strace $0x80000047;
	s16 =	smul.u32 $0x1388000, s20  }
0x8: {  	s6 =	ssub.s32 $0x2, s20;
	s10 =	smul.u32 $0x140000, s20;
	s31 =	sor.u32 $0x2, s20  }
0x9: {  	p0 =	sne.s32 s20, $0x0;
	s20 =	simm.s32 $0x1;
	s19 =	smul.u32 $0x1388000, s31  }
0xa: {  	s8 =	sshrl.u32 s6, $0x1;
	s5 =	sshrl.u32 s29, $0x2;
	s21 =	smul.u32 $0x140000, s31  }
0xb: {  	s14 =	sshrl.u32 s11, $0x3;
	s9 =	sadd.s32 $0x2700, s9;
	s29 =	smul.u32 $0x27100, s3  }
0xc: {  	s15 =	ssub.s32 s6, s8;
	s5 =	sadd.s32 s5, s1;
	s6 =	sadd.s32 s11, s1  }
0xd: {  	s7 =	sadd.s32 s7, s14;
	s30 =	sshrl.u32 s9, $0x3;
	s12 =	sshll.u32 s9, $0x7  }
0xe: {  	s10 =	sadd.s32 s11, s10;
	s25 =	sadd.s32 s22, s16;
	s22 =	simm.s32 $0x4080  }
0xf: {  	s8 =	sadd.s32 s17, s30;
	s13 =	sadd.s32 s16, s12;
	s10 =	sshrl.u32 s10, $0x3  }
0x10: {  	s19 =	sadd.s32 s19, s12;
	s11 =	sadd.s32 s11, s21;
	s12 =	sshrl.u32 s12, $0x3  }
0x11: {  	s28 =	sshrl.u32 s25, $0x3;
	s15 =	smax.u32 s15, $0x1;
	s30 =	sadd.s32 $0x2710000, s25  }
0x12: {  	s17 =	sadd.s32 s26, s17;
	s31 =	sadd.s32 s29, s18;
	s25 =	simm.s32 $0x0  }
0x13: {  	s13 =	sshrl.u32 s13, $0x3;
	s10 =	sadd.s32 s0, s10;
	s21 =	sshrl.u32 s11, $0x3  }
0x14: {  	s23 =	sadd.s32 s18, s12;
	s16 =	sadd.s32 s28, s18;
	s9 =	sadd.s32 s18, s13  }
.Ltmp0:
0x15: {  	s13 =	sshrl.u32 s19, $0x3;
	s12 =	sadd.s32 s0, s21;
	(pc) =	sbr.rel .LBB2_1-.Ltmp0, $4  }
0x16: {  	s24 =	sadd.s32 $0x9C4000, s23;
	s0 =	sadd.s32 s0, s14;
	s19 =	sadd.s32 $0x9C4000, s31  }
0x17: {  	s21 =	simm.s32 $0x80;
	s23 =	simm.s32 $0x4090;
	s0 =	sadd.s32 $0xA0000, s0  }
0x18: {  	s11 =	sadd.s32 s18, s13;
	[dreg:$0x5] =	wrdreg s0;
	s0 =	sshrl.u32 s30, $0x3  }
0x19: {  	[dreg:$0x4] =	wrdreg s24;
	s24 =	simm.s32 $0x10;
	s18 =	sadd.s32 s0, s18  }
.LBB2_8:
0x1a: {  	s0 =	sadd.s32 s30, s17;
	[sflag:s20] =	ssyncadd.s32 $0xFFFFC000  }
0x1b: {  	[tilespmem:s2], [sflag:$0x1] =	stream.linear.gather [hbm4b:s0+s2], $0x80, $0x38;
	[tilespmem:$0x18890] =	vst v63  }
0x1c: {  	_ =	swait.ge [sflag:s20], $0x80  }
0x1d: {  	[sflag:s20] =	ssyncset.done $0x0  }
0x1e: {  	[sflag:s20] =	ssyncadd.s32 $0xFFFFFF80  }
0x1f: {  	[tilespmem:s21], [sflag:$0x1] =	stream.linear.gather [hbm4b:s29+s2], $0x4000, $0x38;
	[tilespmem:$0x18890] =	vst v63  }
0x20: {  	_ =	swait.ge [sflag:s20], $0x4000  }
0x21: {  	[sflag:s20] =	ssyncset.done $0x0  }
0x22: {  	[sflag:s20] =	ssyncadd.s32 $0xFFFFC000  }
0x23: {  	[spmem:s1] =	stream.indirect.scatter.add.f32 [tilespmem:s21], [sflag:$0x1], $0x80, s2, s21, $0xb8;
	[tilespmem:$0x18890] =	vst v63  }
0x24: {  	_ =	swait.ge [sflag:s20], $0x4000  }
0x25: {  	[sflag:s20] =	ssyncset.done $0x0  }
0x26: {  	[sflag:s20] =	ssyncadd.s32 $0xFFFFC000  }
0x27: {  	[tilespmem:s22], [sflag:$0x1] =	stream.linear.gather [hbm4b:s8+s2], $0x10, $0x38;
	[tilespmem:$0x18890] =	vst v63  }
0x28: {  	_ =	swait.ge [sflag:s20], $0x10  }
0x29: {  	[sflag:s20] =	ssyncset.done $0x0  }
0x2a: {  	s30 =	rddreg [dreg:$0x4];
	[sflag:s20] =	ssyncadd.s32 $0xFFFFFFF0  }
0x2b: {  	[tilespmem:s23], [sflag:$0x1] =	stream.linear.gather [hbm4b:s30+s2], $0x800, $0x38;
	[tilespmem:$0x18890] =	vst v63  }
0x2c: {  	_ =	swait.ge [sflag:s20], $0x800  }
0x2d: {  	[sflag:s20] =	ssyncset.done $0x0  }
0x2e: {  	[sflag:s20] =	ssyncadd.s32 $0xFFFFF800  }
0x2f: {  	[spmem:s1] =	stream.indirect.scatter.add.f32 [tilespmem:s23], [sflag:$0x1], $0x80, s22, s24, $0xb8;
	[tilespmem:$0x18890] =	vst v63  }
0x30: {  	_ =	swait.ge [sflag:s20], $0x800  }
0x31: {  	[sflag:s20] =	ssyncset.done $0x0  }
0x32: {  	[sflag:s20] =	ssyncadd.s32 $0xFFFFF800  }
0x33: {  	[bflag:$0x0] =	sbarrier.arrive $0xFFFF  }
0x34: {  	s31 =	rddreg [dreg:$0x5]  }
0x35: {  	[hbm:s31], [sflag:s26] =	dma.local [spmem:s28], $0x2800  }
0x36: {  	_ =	swait.ge [sflag:s20], $0x2800  }
0x37: {  	[sflag:s20] =	ssyncset.done $0x0  }
0x38: {  	[sflag:s20] =	ssyncadd.s32 $0xFFFFD800  }
.LBB2_9:
0x39: {  	s25 =	sadd.s32 $0x1, s25  }
0x3a: {  	p1 =	sne.s32 s25, s15  }
.Ltmp1:
0x3b: {  	_ = 	snop;
	(pc) =	sbr.rel @!p1 .LBB2_10-.Ltmp1, $1  }
0x3c: {  	_ =	sdelay $0x3  }
.LBB2_1:
0x3d: {  	s0 =	sshll.u32 @p0 s3, $0x6  }
0x3e: {  	s26 =	sshrl.u32 @p0 s5, $0x3;
	s0 =	sor.u32 @p0 $0x1C01, s0  }
0x3f: {  	[spmem:s26], [sflag:s0] =	dma.local @p0 [hbm:s4], $0x2800  }
0x40: {  	s0 =	sshll.u32 @!p0 s3, $0x6  }
0x41: {  	s26 =	sshrl.u32 @!p0 s6, $0x3;
	s0 =	sor.u32 @!p0 $0x1C01, s0  }
0x42: {  	[spmem:s26], [sflag:s0] =	dma.local @!p0 [hbm:s7], $0x2800  }
0x43: {  	_ =	swait.ge [sflag:s20], $0x2800  }
0x44: {  	[sflag:s20] =	ssyncset.done $0x0  }
0x45: {  	[sflag:s20] =	ssyncadd.s32 $0xFFFFD800  }
0x46: {  	s31 =	sadd.s32 $0x0, s17;
	[bflag:$0x0] =	sbarrier.arrive $0xFFFF  }
0x47: {  	[tilespmem:s2], [sflag:$0x1] =	stream.linear.gather [hbm4b:s31+s2], $0x80, $0x38;
	[tilespmem:$0x18890] =	vst v63  }
0x48: {  	_ =	swait.ge [sflag:s20], $0x80  }
0x49: {  	[sflag:s20] =	ssyncset.done $0x0  }
0x4a: {  	[sflag:s20] =	ssyncadd.s32 $0xFFFFFF80  }
0x4b: {  	[tilespmem:s21], [sflag:$0x1] =	stream.linear.gather [hbm4b:s16+s2], $0x4000, $0x38;
	[tilespmem:$0x18890] =	vst v63  }
0x4c: {  	_ =	swait.ge [sflag:s20], $0x4000  }
0x4d: {  	[sflag:s20] =	ssyncset.done $0x0  }
0x4e: {  	[sflag:s20] =	ssyncadd.s32 $0xFFFFC000  }
0x4f: {  	[spmem:s1] =	stream.indirect.scatter.add.f32 [tilespmem:s21], [sflag:$0x1], $0x80, s2, s21, $0xb8;
	[tilespmem:$0x18890] =	vst v63  }
0x50: {  	s28 =	simm.s32 $0x10;
	_ =	swait.ge [sflag:s20], $0x4000  }
0x51: {  	s29 =	simm.s32 $0x20;
	s26 =	sadd.s32 $0x800, s16;
	[sflag:s20] =	ssyncset.done $0x0  }
.LBB2_2:
0x52: {  	s0 =	sadd.s32 s28, s17  }
0x53: {  	[sflag:s20] =	ssyncadd.s32 $0xFFFFC000;
	s28 =	smov.u32 s29;
	s30 =	sadd.s32 $0x10, s29  }
0x54: {  	[tilespmem:s2], [sflag:$0x1] =	stream.linear.gather [hbm4b:s0+s2], $0x80, $0x38;
	[tilespmem:$0x18890] =	vst v63  }
0x55: {  	p1 =	sne.s32 s29, $0x4D0;
	_ =	swait.ge [sflag:s20], $0x80  }
0x56: {  	[sflag:s20] =	ssyncset.done $0x0  }
0x57: {  	[sflag:s20] =	ssyncadd.s32 $0xFFFFFF80  }
0x58: {  	[tilespmem:s21], [sflag:$0x1] =	stream.linear.gather [hbm4b:s26+s2], $0x4000, $0x38;
	[tilespmem:$0x18890] =	vst v63  }
0x59: {  	_ =	swait.ge [sflag:s20], $0x4000  }
.Ltmp2:
0x5a: {  	[sflag:s20] =	ssyncset.done $0x0;
	(pc) =	sbr.rel @p1 .LBB2_2-.Ltmp2, $4  }
0x5b: {  	[sflag:s20] =	ssyncadd.s32 $0xFFFFC000  }
0x5c: {  	[spmem:s1] =	stream.indirect.scatter.add.f32 [tilespmem:s21], [sflag:$0x1], $0x80, s2, s21, $0xb8;
	[tilespmem:$0x18890] =	vst v63  }
0x5d: {  	_ =	swait.ge [sflag:s20], $0x4000  }
0x5e: {  	s29 =	smov.u32 s30;
	s26 =	sadd.s32 $0x800, s26;
	[sflag:s20] =	ssyncset.done $0x0  }
0x5f: {  	s0 =	sadd.s32 s28, s17;
	[sflag:s20] =	ssyncadd.s32 $0xFFFFC000  }
0x60: {  	[tilespmem:s2], [sflag:$0x1] =	stream.linear.gather [hbm4b:s0+s2], $0x80, $0x38;
	[tilespmem:$0x18890] =	vst v63  }
0x61: {  	_ =	swait.ge [sflag:s20], $0x80  }
0x62: {  	[sflag:s20] =	ssyncset.done $0x0  }
0x63: {  	[sflag:s20] =	ssyncadd.s32 $0xFFFFFF80  }
0x64: {  	[tilespmem:s21], [sflag:$0x1] =	stream.linear.gather [hbm4b:s26+s2], $0x4000, $0x38;
	[tilespmem:$0x18890] =	vst v63  }
0x65: {  	_ =	swait.ge [sflag:s20], $0x4000  }
0x66: {  	[sflag:s20] =	ssyncset.done $0x0  }
0x67: {  	[sflag:s20] =	ssyncadd.s32 $0xFFFFC000  }
0x68: {  	[spmem:s1] =	stream.indirect.scatter.add.f32 [tilespmem:s21], [sflag:$0x1], $0x80, s2, s21, $0xb8;
	[tilespmem:$0x18890] =	vst v63  }
0x69: {  	_ =	swait.ge [sflag:s20], $0x4000  }
0x6a: {  	[sflag:s20] =	ssyncset.done $0x0  }
0x6b: {  	s26 =	simm.s32 $0x0;
	[sflag:s20] =	ssyncadd.s32 $0xFFFFC000  }
0x6c: {  	[tilespmem:s22], [sflag:$0x1] =	stream.linear.gather [hbm4b:s8+s26], $0x10, $0x38;
	[tilespmem:$0x18890] =	vst v63  }
0x6d: {  	_ =	swait.ge [sflag:s20], $0x10  }
0x6e: {  	[sflag:s20] =	ssyncset.done $0x0  }
0x6f: {  	[sflag:s20] =	ssyncadd.s32 $0xFFFFFFF0  }
0x70: {  	[tilespmem:s23], [sflag:$0x1] =	stream.linear.gather [hbm4b:s9+s26], $0x800, $0x38;
	[tilespmem:$0x18890] =	vst v63  }
0x71: {  	_ =	swait.ge [sflag:s20], $0x800  }
0x72: {  	[sflag:s20] =	ssyncset.done $0x0  }
0x73: {  	[sflag:s20] =	ssyncadd.s32 $0xFFFFF800  }
0x74: {  	[spmem:s1] =	stream.indirect.scatter.add.f32 [tilespmem:s23], [sflag:$0x1], $0x80, s22, s24, $0xb8;
	[tilespmem:$0x18890] =	vst v63  }
0x75: {  	_ =	swait.ge [sflag:s20], $0x800  }
0x76: {  	[sflag:s20] =	ssyncset.done $0x0  }
0x77: {  	s13 =	sshll.u32 s3, $0x6;
	[sflag:s20] =	ssyncadd.s32 $0xFFFFF800  }
0x78: {  	s28 =	sshrl.u32 s6, $0x3;
	s26 =	sor.u32 $0x1C01, s13;
	[bflag:$0x0] =	sbarrier.arrive $0xFFFF  }
0x79: {  	[hbm:s10], [sflag:s26] =	dma.local [spmem:s28], $0x2800  }
0x7a: {  	_ =	swait.ge [sflag:s20], $0x2800  }
0x7b: {  	[sflag:s20] =	ssyncset.done $0x0  }
0x7c: {  	s29 =	sshrl.u32 s5, $0x3;
	[sflag:s20] =	ssyncadd.s32 $0xFFFFD800  }
0x7d: {  	[spmem:s29], [sflag:s26] =	dma.local [hbm:s4], $0x2800  }
0x7e: {  	_ =	swait.ge [sflag:s20], $0x2800  }
0x7f: {  	[sflag:s20] =	ssyncset.done $0x0  }
0x80: {  	[sflag:s20] =	ssyncadd.s32 $0xFFFFD800  }
0x81: {  	s14 =	sadd.s32 $0x0, s17;
	[bflag:$0x0] =	sbarrier.arrive $0xFFFF  }
0x82: {  	[tilespmem:s2], [sflag:$0x1] =	stream.linear.gather [hbm4b:s14+s2], $0x80, $0x38;
	[tilespmem:$0x18890] =	vst v63  }
0x83: {  	_ =	swait.ge [sflag:s20], $0x80  }
0x84: {  	[sflag:s20] =	ssyncset.done $0x0  }
0x85: {  	[sflag:s20] =	ssyncadd.s32 $0xFFFFFF80  }
0x86: {  	[tilespmem:s21], [sflag:$0x1] =	stream.linear.gather [hbm4b:s18+s2], $0x4000, $0x38;
	[tilespmem:$0x18890] =	vst v63  }
0x87: {  	_ =	swait.ge [sflag:s20], $0x4000  }
0x88: {  	[sflag:s20] =	ssyncset.done $0x0  }
0x89: {  	[sflag:s20] =	ssyncadd.s32 $0xFFFFC000  }
0x8a: {  	[spmem:s1] =	stream.indirect.scatter.add.f32 [tilespmem:s21], [sflag:$0x1], $0x80, s2, s21, $0xb8;
	[tilespmem:$0x18890] =	vst v63  }
0x8b: {  	s31 =	simm.s32 $0x10;
	_ =	swait.ge [sflag:s20], $0x4000  }
0x8c: {  	s30 =	sadd.s32 $0x800, s18;
	s0 =	simm.s32 $0x20;
	[sflag:s20] =	ssyncset.done $0x0  }
.LBB2_4:
0x8d: {  	s13 =	sadd.s32 s31, s17  }
0x8e: {  	[sflag:s20] =	ssyncadd.s32 $0xFFFFC000;
	s31 =	smov.u32 s0;
	s14 =	sadd.s32 $0x10, s0  }
0x8f: {  	[tilespmem:s2], [sflag:$0x1] =	stream.linear.gather [hbm4b:s13+s2], $0x80, $0x38;
	[tilespmem:$0x18890] =	vst v63  }
0x90: {  	p1 =	sne.s32 s0, $0x4D0;
	_ =	swait.ge [sflag:s20], $0x80  }
0x91: {  	[sflag:s20] =	ssyncset.done $0x0  }
0x92: {  	[sflag:s20] =	ssyncadd.s32 $0xFFFFFF80  }
0x93: {  	[tilespmem:s21], [sflag:$0x1] =	stream.linear.gather [hbm4b:s30+s2], $0x4000, $0x38;
	[tilespmem:$0x18890] =	vst v63  }
0x94: {  	_ =	swait.ge [sflag:s20], $0x4000  }
.Ltmp3:
0x95: {  	[sflag:s20] =	ssyncset.done $0x0;
	(pc) =	sbr.rel @p1 .LBB2_4-.Ltmp3, $4  }
0x96: {  	[sflag:s20] =	ssyncadd.s32 $0xFFFFC000  }
0x97: {  	[spmem:s1] =	stream.indirect.scatter.add.f32 [tilespmem:s21], [sflag:$0x1], $0x80, s2, s21, $0xb8;
	[tilespmem:$0x18890] =	vst v63  }
0x98: {  	_ =	swait.ge [sflag:s20], $0x4000  }
0x99: {  	s0 =	smov.u32 s14;
	s30 =	sadd.s32 $0x800, s30;
	[sflag:s20] =	ssyncset.done $0x0  }
0x9a: {  	s0 =	sadd.s32 s31, s17;
	[sflag:s20] =	ssyncadd.s32 $0xFFFFC000  }
0x9b: {  	[tilespmem:s2], [sflag:$0x1] =	stream.linear.gather [hbm4b:s0+s2], $0x80, $0x38;
	[tilespmem:$0x18890] =	vst v63  }
0x9c: {  	_ =	swait.ge [sflag:s20], $0x80  }
0x9d: {  	[sflag:s20] =	ssyncset.done $0x0  }
0x9e: {  	[sflag:s20] =	ssyncadd.s32 $0xFFFFFF80  }
0x9f: {  	[tilespmem:s21], [sflag:$0x1] =	stream.linear.gather [hbm4b:s30+s2], $0x4000, $0x38;
	[tilespmem:$0x18890] =	vst v63  }
0xa0: {  	_ =	swait.ge [sflag:s20], $0x4000  }
0xa1: {  	[sflag:s20] =	ssyncset.done $0x0  }
0xa2: {  	[sflag:s20] =	ssyncadd.s32 $0xFFFFC000  }
0xa3: {  	[spmem:s1] =	stream.indirect.scatter.add.f32 [tilespmem:s21], [sflag:$0x1], $0x80, s2, s21, $0xb8;
	[tilespmem:$0x18890] =	vst v63  }
0xa4: {  	_ =	swait.ge [sflag:s20], $0x4000  }
0xa5: {  	[sflag:s20] =	ssyncset.done $0x0  }
0xa6: {  	[sflag:s20] =	ssyncadd.s32 $0xFFFFC000  }
0xa7: {  	[tilespmem:s22], [sflag:$0x1] =	stream.linear.gather [hbm4b:s8+s2], $0x10, $0x38;
	[tilespmem:$0x18890] =	vst v63  }
0xa8: {  	_ =	swait.ge [sflag:s20], $0x10  }
0xa9: {  	[sflag:s20] =	ssyncset.done $0x0  }
0xaa: {  	[sflag:s20] =	ssyncadd.s32 $0xFFFFFFF0  }
0xab: {  	[tilespmem:s23], [sflag:$0x1] =	stream.linear.gather [hbm4b:s11+s2], $0x800, $0x38;
	[tilespmem:$0x18890] =	vst v63  }
0xac: {  	_ =	swait.ge [sflag:s20], $0x800  }
0xad: {  	[sflag:s20] =	ssyncset.done $0x0  }
0xae: {  	[sflag:s20] =	ssyncadd.s32 $0xFFFFF800  }
0xaf: {  	[spmem:s1] =	stream.indirect.scatter.add.f32 [tilespmem:s23], [sflag:$0x1], $0x80, s22, s24, $0xb8;
	[tilespmem:$0x18890] =	vst v63  }
0xb0: {  	_ =	swait.ge [sflag:s20], $0x800  }
0xb1: {  	[sflag:s20] =	ssyncset.done $0x0  }
0xb2: {  	[sflag:s20] =	ssyncadd.s32 $0xFFFFF800  }
.Ltmp4:
0xb3: {  	[bflag:$0x0] =	sbarrier.arrive $0xFFFF;
	(pc) =	sbr.rel @p0 .LBB2_9-.Ltmp4, $4  }
0xb4: {  	[hbm:s12], [sflag:s26] =	dma.local [spmem:s28], $0x2800  }
0xb5: {  	_ =	swait.ge [sflag:s20], $0x2800  }
0xb6: {  	[sflag:s20] =	ssyncset.done $0x0  }
0xb7: {  	[sflag:s20] =	ssyncadd.s32 $0xFFFFD800  }
0xb8: {  	[spmem:s29], [sflag:s26] =	dma.local [hbm:s4], $0x2800  }
0xb9: {  	_ =	swait.ge [sflag:s20], $0x2800  }
0xba: {  	[sflag:s20] =	ssyncset.done $0x0  }
0xbb: {  	[sflag:s20] =	ssyncadd.s32 $0xFFFFD800  }
0xbc: {  	s0 =	sadd.s32 $0x0, s17;
	[bflag:$0x0] =	sbarrier.arrive $0xFFFF  }
0xbd: {  	[tilespmem:s2], [sflag:$0x1] =	stream.linear.gather [hbm4b:s0+s2], $0x80, $0x38;
	[tilespmem:$0x18890] =	vst v63  }
0xbe: {  	_ =	swait.ge [sflag:s20], $0x80  }
0xbf: {  	[sflag:s20] =	ssyncset.done $0x0  }
0xc0: {  	[sflag:s20] =	ssyncadd.s32 $0xFFFFFF80  }
0xc1: {  	[tilespmem:s21], [sflag:$0x1] =	stream.linear.gather [hbm4b:s19+s2], $0x4000, $0x38;
	[tilespmem:$0x18890] =	vst v63  }
0xc2: {  	_ =	swait.ge [sflag:s20], $0x4000  }
0xc3: {  	[sflag:s20] =	ssyncset.done $0x0  }
0xc4: {  	[sflag:s20] =	ssyncadd.s32 $0xFFFFC000  }
0xc5: {  	[spmem:s1] =	stream.indirect.scatter.add.f32 [tilespmem:s21], [sflag:$0x1], $0x80, s2, s21, $0xb8;
	[tilespmem:$0x18890] =	vst v63  }
0xc6: {  	s30 =	simm.s32 $0x10;
	_ =	swait.ge [sflag:s20], $0x4000  }
0xc7: {  	s29 =	sadd.s32 $0x800, s19;
	s0 =	simm.s32 $0x20;
	[sflag:s20] =	ssyncset.done $0x0  }
.LBB2_7:
0xc8: {  	s13 =	sadd.s32 s30, s17  }
0xc9: {  	[sflag:s20] =	ssyncadd.s32 $0xFFFFC000;
	s30 =	smov.u32 s0;
	s14 =	sadd.s32 $0x10, s0  }
0xca: {  	[tilespmem:s2], [sflag:$0x1] =	stream.linear.gather [hbm4b:s13+s2], $0x80, $0x38;
	[tilespmem:$0x18890] =	vst v63  }
0xcb: {  	p1 =	sne.s32 s0, $0x4D0;
	_ =	swait.ge [sflag:s20], $0x80  }
0xcc: {  	[sflag:s20] =	ssyncset.done $0x0  }
0xcd: {  	[sflag:s20] =	ssyncadd.s32 $0xFFFFFF80  }
0xce: {  	[tilespmem:s21], [sflag:$0x1] =	stream.linear.gather [hbm4b:s29+s2], $0x4000, $0x38;
	[tilespmem:$0x18890] =	vst v63  }
0xcf: {  	_ =	swait.ge [sflag:s20], $0x4000  }
.Ltmp5:
0xd0: {  	[sflag:s20] =	ssyncset.done $0x0;
	(pc) =	sbr.rel @p1 .LBB2_7-.Ltmp5, $4  }
0xd1: {  	[sflag:s20] =	ssyncadd.s32 $0xFFFFC000  }
0xd2: {  	[spmem:s1] =	stream.indirect.scatter.add.f32 [tilespmem:s21], [sflag:$0x1], $0x80, s2, s21, $0xb8;
	[tilespmem:$0x18890] =	vst v63  }
0xd3: {  	_ =	swait.ge [sflag:s20], $0x4000  }
0xd4: {  	s0 =	smov.u32 s14;
	s29 =	sadd.s32 $0x800, s29;
	[sflag:s20] =	ssyncset.done $0x0  }
.Ltmp6:
0xd5: {  	_ = 	snop;
	(pc) =	sbr.rel .LBB2_8-.Ltmp6, $1  }
0xd6: {  	_ =	sdelay $0x3  }
.LBB2_10:
0xd7: {  	_ =	sfence.sel $0x180000  }
0xd8: {  	[bflag:$0x0] =	sbarrier.arrive $0xFFFF  }
0xd9: {  	_ =	strace $0x90000047  }
0xda: {  	[bflag:$0x2] =	sbarrier.arrive $0xFFFF  }
0xdb: {  	p0 =	sne.s32 s3, $0x0;
	s0 =	rddreg [dreg:$0x3]  }
0xdc: {  	s0 =	sadd.s32 @!p0 $0x100000, s0  }
0xdd: {  	[sflag:s0] =	ssyncadd.tile.s32 @!p0 $0x1;
	_ =	shalt  }
.Lfunc_end2:
_tile_overlayer_lowered:
.L_overlay_start_2:
0xde: {  	(tag) =	ssettag $0x2  }
0xdf: {  	s0 =	rddreg [dreg:$0x0];
	s2 =	stileid.u32  }
0xe0: {  	s1 =	rddreg [dreg:$0x1];
	p0 =	sne.s32 s2, $0x0  }
0xe1: {  	s3 =	rddreg [dreg:$0x2];
	[bflag:$0x3] =	sbarrier.arrive $0xFFFF;
	s2 =	simm.s32 @!p0 $0x1C01  }
0xe2: {  	[timem:s3], [sflag:s2] =	dma.local @!p0 [hbm:s0], s1  }
0xe3: {  	s0 =	simm.s32 @!p0 $0x1  }
0xe4: {  	_ =	swait.ge @!p0 [sflag:s0], s1  }
0xe5: {  	s1 =	ssub.s32 @!p0 $0x0, s1;
	[sflag:s0] =	ssyncset.done @!p0 $0x0  }
0xe6: {  	[sflag:s0] =	ssyncadd.s32 @!p0 s1  }
0xe7: {  	[bflag:$0x3] =	sbarrier.arrive $0xFFFF  }
0xe8: {  	_ =	shalt  }

</sc_bundles>
